<compile_context>
chip_gen: v7x
topology: tpu7x:2x2x1
jax: 0.10.2.dev20260603
libtpu: 0.0.44.dev20260713+nightly
codegen_flags: <defaults>
</compile_context>

<pallas_src>
import functools

import jax
import jax.numpy as jnp
from jax import lax
from jax.experimental import pallas as pl
from jax.experimental.pallas import tpu as pltpu
from jax.experimental.pallas import tpu_sc as plsc

D_MODEL = 64
NUM_WORKERS = 32
CHUNK = 128
NBUF = 4
TBUF = 2


@functools.cache
def _build(n_b: int, n_s: int):
    b_per_w = n_b // NUM_WORKERS
    k_per_s = b_per_w // CHUNK
    idx_per_w = b_per_w * n_s
    assert k_per_s == NBUF
    mesh = plsc.VectorSubcoreMesh(core_axis_name="c", subcore_axis_name="s")

    @functools.partial(
        pl.kernel,
        mesh=mesh,
        out_type=jax.ShapeDtypeStruct((n_s, D_MODEL, n_b), jnp.float32),
        scratch_types=[
            pltpu.VMEM((idx_per_w,), jnp.int32),
            pltpu.VMEM((NBUF, CHUNK, D_MODEL), jnp.float32),
            pltpu.VMEM((TBUF, D_MODEL, CHUNK + 1), jnp.float32),
        ] + [pltpu.SemaphoreType.DMA] * (NBUF + TBUF),
        compiler_params=pltpu.CompilerParams(
            use_tc_tiling_on_sc=False, needs_layout_passes=False),
    )
    def gather_kernel(idx_hbm, table_hbm, out_hbm, idx_v, rows_v, tp_v, *sems):
        gsem = sems[:NBUF]
        osem = sems[NBUF:]
        wid = lax.axis_index("s") * 2 + lax.axis_index("c")
        base_b = wid * b_per_w
        pltpu.sync_copy(idx_hbm.at[wid], idx_v)

        lane = lax.iota(jnp.int32, 16)
        rvecs = [lane + bg * 16 for bg in range(CHUNK // 16)]

        def fire_gather(j, p):
            pltpu.async_copy(
                table_hbm.at[idx_v.at[pl.ds(j * CHUNK, CHUNK)]],
                rows_v.at[p],
                gsem[p],
            )

        for p in range(NBUF):
            fire_gather(p, p)

        def body(g, carry):
            for p in range(NBUF):
                j = g * NBUF + p
                tb = p % TBUF
                col0 = base_b + p * CHUNK

                pltpu.make_async_copy(
                    table_hbm.at[idx_v.at[pl.ds(j * CHUNK, CHUNK)]],
                    rows_v.at[p],
                    gsem[p],
                ).wait()

                @pl.when(j >= TBUF)
                def _():
                    jp = j - TBUF
                    pltpu.make_async_copy(
                        tp_v.at[tb, :, pl.ds(0, CHUNK)],
                        out_hbm.at[jp // k_per_s, :,
                                   pl.ds(base_b + (jp % k_per_s) * CHUNK,
                                         CHUNK)],
                        osem[tb],
                    ).wait()

                @plsc.parallel_loop(0, CHUNK, unroll=8)
                def _tr(r):
                    rsp = lane * 0 + r
                    for k in range(D_MODEL // 16):
                        vals = rows_v[p, r, pl.ds(k * 16, 16)]
                        plsc.store_scatter(tp_v.at[tb], [rvecs[k], rsp], vals)

                pltpu.async_copy(
                    tp_v.at[tb, :, pl.ds(0, CHUNK)],
                    out_hbm.at[g, :, pl.ds(col0, CHUNK)],
                    osem[tb],
                )

                @pl.when(g + 1 < n_s)
                def _():
                    fire_gather(j + NBUF, p)

            return carry

        lax.fori_loop(0, n_s, body, 0)

        for t in range(TBUF):
            j = n_s * NBUF - TBUF + t
            pltpu.make_async_copy(
                tp_v.at[j % TBUF, :, pl.ds(0, CHUNK)],
                out_hbm.at[j // k_per_s, :,
                           pl.ds(base_b + (j % k_per_s) * CHUNK, CHUNK)],
                osem[j % TBUF],
            ).wait()

    return gather_kernel


def kernel(token_ids, weights):
    n_b, n_s = token_ids.shape
    b_per_w = n_b // NUM_WORKERS
    idx = token_ids.T.reshape(n_s, NUM_WORKERS, b_per_w)
    idx = idx.transpose(1, 0, 2).reshape(NUM_WORKERS, n_s * b_per_w)
    idx = idx.astype(jnp.int32)
    out = _build(n_b, n_s)(idx, weights)
    return out.transpose(2, 0, 1)

# --- scband reference (transcript-rebuilt; emitter-appended) ---
"""Pipeline reference for scband-embedding-25460566131048 (READ-ONLY COPY).

The authoritative reference and input builder live on the scoring server;
editing this copy changes nothing except your own understanding.
"""

import jax, jax.numpy as jnp
import numpy as np

VOCAB_SIZE = 1000000
D_MODEL = 64

def setup_inputs(seed: int = 0) -> dict:
    key = jax.random.key(seed)
    k_ids, k_w = jax.random.split(key)
    token_ids = jax.random.randint(k_ids, (16384, 50), 0, VOCAB_SIZE, dtype=jnp.int64 if jax.config.jax_enable_x64 else jnp.int32)
    # trunc_normal: normal(mean=0, std=1) * std(=1) clamped to [-3, 3]
    weights = jnp.clip(jax.random.normal(k_w, (VOCAB_SIZE, D_MODEL), dtype=jnp.float32), -3.0, 3.0)
    return {"token_ids": token_ids, "weights": weights}

def reference(token_ids, weights):
    return jnp.take(weights, token_ids, axis=0)

if __name__ == "__main__":
    import jax
    _d = setup_inputs()
    print(jax.jit(kernel)(*tuple(_d.values())))

</pallas_src>

<mosaic_0001>
#map = affine_map<(d0, d1) -> (0, 0)>
#map1 = affine_map<(d0, d1) -> (0, 0, 0)>
module attributes {stable_mosaic.version = 14 : i64} {
  func.func @gather_kernel(%arg0: i32, %arg1: i32, %arg2: memref<32x25600xi32, #tpu.memory_space<hbm>>, %arg3: memref<1000000x64xf32, #tpu.memory_space<hbm>>, %arg4: memref<50x64x16384xf32, #tpu.memory_space<hbm>>, %arg5: memref<25600xi32, #tpu.memory_space<vmem>>, %arg6: memref<4x128x64xf32, #tpu.memory_space<vmem>>, %arg7: memref<2x64x129xf32, #tpu.memory_space<vmem>>, %arg8: memref<!tpu.dma_semaphore, #tpu.memory_space<semaphore_mem>>, %arg9: memref<!tpu.dma_semaphore, #tpu.memory_space<semaphore_mem>>, %arg10: memref<!tpu.dma_semaphore, #tpu.memory_space<semaphore_mem>>, %arg11: memref<!tpu.dma_semaphore, #tpu.memory_space<semaphore_mem>>, %arg12: memref<!tpu.dma_semaphore, #tpu.memory_space<semaphore_mem>>, %arg13: memref<!tpu.dma_semaphore, #tpu.memory_space<semaphore_mem>>) attributes {dimension_semantics = [#tpu.dimension_semantics<core_parallel>, #tpu.dimension_semantics<subcore_parallel>], iteration_bounds = array<i64: 2, 16>, scalar_prefetch = 0 : i64, scratch_operands = 9 : i64, tpu.core_type = #tpu.core_type<sc_vector_subcore>, window_params = [{transform_indices = #map}, {transform_indices = #map}, {transform_indices = #map1}]} {
    %mul3A = arith.constant 2 : i32
    %mul3A_0 = arith.muli %arg1, %mul3A : i32
    %add3A = arith.addi %mul3A_0, %arg0 : i32
    %mul3A_1 = arith.constant 512 : i32
    %mul3A_2 = arith.muli %add3A, %mul3A_1 : i32
    "tpu.region"() ({
      %run_scoped3A = tpu.sem_alloc : memref<!tpu.dma_semaphore, #tpu.memory_space<semaphore_mem>>
      %dma_start3A_106 = arith.constant 0 : i32
      %dma_start3A_107 = tpu.memref_slice %arg2[%add3A, %dma_start3A_106] : memref<32x25600xi32, #tpu.memory_space<hbm>> -> memref<1x25600xi32, #tpu.memory_space<hbm>>
      %dma_start3A_108 = tpu.memref_squeeze %dma_start3A_107 : memref<1x25600xi32, #tpu.memory_space<hbm>> -> memref<25600xi32, #tpu.memory_space<hbm>>
      %dma_start3A_109 = arith.constant 0 : i32
      %dma_start3A_110 = tpu.memref_slice %arg2[%add3A, %dma_start3A_109] : memref<32x25600xi32, #tpu.memory_space<hbm>> -> memref<1x25600xi32, #tpu.memory_space<hbm>>
      %dma_start3A_111 = tpu.memref_squeeze %dma_start3A_110 : memref<1x25600xi32, #tpu.memory_space<hbm>> -> memref<25600xi32, #tpu.memory_space<hbm>>
      tpu.enqueue_dma source(%dma_start3A_111 : memref<25600xi32, #tpu.memory_space<hbm>>) target(%arg5 : memref<25600xi32, #tpu.memory_space<vmem>>) target_semaphore(%run_scoped3A : memref<!tpu.dma_semaphore, #tpu.memory_space<semaphore_mem>>)
      %dma_wait3A_112 = arith.constant 0 : i32
      %dma_wait3A_113 = tpu.memref_slice %arg2[%add3A, %dma_wait3A_112] : memref<32x25600xi32, #tpu.memory_space<hbm>> -> memref<1x25600xi32, #tpu.memory_space<hbm>>
      %dma_wait3A_114 = tpu.memref_squeeze %dma_wait3A_113 : memref<1x25600xi32, #tpu.memory_space<hbm>> -> memref<25600xi32, #tpu.memory_space<hbm>>
      %dma_wait3A_115 = arith.constant 0 : i32
      %dma_wait3A_116 = tpu.memref_slice %arg2[%add3A, %dma_wait3A_115] : memref<32x25600xi32, #tpu.memory_space<hbm>> -> memref<1x25600xi32, #tpu.memory_space<hbm>>
      %dma_wait3A_117 = tpu.memref_squeeze %dma_wait3A_116 : memref<1x25600xi32, #tpu.memory_space<hbm>> -> memref<25600xi32, #tpu.memory_space<hbm>>
      tpu.wait_dma2 semaphore(%run_scoped3A : memref<!tpu.dma_semaphore, #tpu.memory_space<semaphore_mem>>) src(%dma_wait3A_117 : memref<25600xi32, #tpu.memory_space<hbm>>) dst(%arg5 : memref<25600xi32, #tpu.memory_space<vmem>>)
      tpu.yield
    }) : () -> ()
    %iota3A = tpu.iota {dimensions = array<i32: 0>} : vector<16xi32>
    %add3A_3 = arith.constant 0 : i32
    %add3A_4 = vector.broadcast %add3A_3 : i32 to vector<16xi32>
    %add3A_5 = arith.addi %iota3A, %add3A_4 : vector<16xi32>
    %add3A_6 = arith.constant 16 : i32
    %add3A_7 = vector.broadcast %add3A_6 : i32 to vector<16xi32>
    %add3A_8 = arith.addi %iota3A, %add3A_7 : vector<16xi32>
    %add3A_9 = arith.constant 32 : i32
    %add3A_10 = vector.broadcast %add3A_9 : i32 to vector<16xi32>
    %add3A_11 = arith.addi %iota3A, %add3A_10 : vector<16xi32>
    %add3A_12 = arith.constant 48 : i32
    %add3A_13 = vector.broadcast %add3A_12 : i32 to vector<16xi32>
    %add3A_14 = arith.addi %iota3A, %add3A_13 : vector<16xi32>
    %add3A_15 = arith.constant 64 : i32
    %add3A_16 = vector.broadcast %add3A_15 : i32 to vector<16xi32>
    %add3A_17 = arith.addi %iota3A, %add3A_16 : vector<16xi32>
    %add3A_18 = arith.constant 80 : i32
    %add3A_19 = vector.broadcast %add3A_18 : i32 to vector<16xi32>
    %add3A_20 = arith.addi %iota3A, %add3A_19 : vector<16xi32>
    %add3A_21 = arith.constant 96 : i32
    %add3A_22 = vector.broadcast %add3A_21 : i32 to vector<16xi32>
    %add3A_23 = arith.addi %iota3A, %add3A_22 : vector<16xi32>
    %add3A_24 = arith.constant 112 : i32
    %add3A_25 = vector.broadcast %add3A_24 : i32 to vector<16xi32>
    %add3A_26 = arith.addi %iota3A, %add3A_25 : vector<16xi32>
    %dma_start3A = arith.constant 0 : i32
    %dma_start3A_27 = arith.constant 0 : i32
    %dma_start3A_28 = arith.constant 0 : i32
    %dma_start3A_29 = tpu.memref_slice %arg6[%dma_start3A, %dma_start3A_27, %dma_start3A_28] : memref<4x128x64xf32, #tpu.memory_space<vmem>> -> memref<1x128x64xf32, #tpu.memory_space<vmem>>
    %dma_start3A_30 = tpu.memref_squeeze %dma_start3A_29 : memref<1x128x64xf32, #tpu.memory_space<vmem>> -> memref<128x64xf32, #tpu.memory_space<vmem>>
    %dma_start3A_31 = arith.constant 0 : i32
    %dma_start3A_32 = tpu.memref_slice %arg5[%dma_start3A_31] : memref<25600xi32, #tpu.memory_space<vmem>> -> memref<128xi32, #tpu.memory_space<vmem>>
    %dma_start3A_33 = arith.constant 0 : i32
    %dma_start3A_34 = arith.constant 0 : i32
    %dma_start3A_35 = tpu.memref_slice %arg3[%dma_start3A_33, %dma_start3A_34] : memref<1000000x64xf32, #tpu.memory_space<hbm>> -> memref<1000000x64xf32, #tpu.memory_space<hbm>>
    tpu.enqueue_indirect_dma source(%dma_start3A_35 : memref<1000000x64xf32, #tpu.memory_space<hbm>>) target(%dma_start3A_30 : memref<128x64xf32, #tpu.memory_space<vmem>>) offsets(%dma_start3A_32 : memref<128xi32, #tpu.memory_space<vmem>>) semaphore(%arg8 : memref<!tpu.dma_semaphore, #tpu.memory_space<semaphore_mem>>)
    %dma_start3A_36 = arith.constant 1 : i32
    %dma_start3A_37 = arith.constant 0 : i32
    %dma_start3A_38 = arith.constant 0 : i32
    %dma_start3A_39 = tpu.memref_slice %arg6[%dma_start3A_36, %dma_start3A_37, %dma_start3A_38] : memref<4x128x64xf32, #tpu.memory_space<vmem>> -> memref<1x128x64xf32, #tpu.memory_space<vmem>>
    %dma_start3A_40 = tpu.memref_squeeze %dma_start3A_39 : memref<1x128x64xf32, #tpu.memory_space<vmem>> -> memref<128x64xf32, #tpu.memory_space<vmem>>
    %dma_start3A_41 = arith.constant 128 : i32
    %dma_start3A_42 = tpu.memref_slice %arg5[%dma_start3A_41] : memref<25600xi32, #tpu.memory_space<vmem>> -> memref<128xi32, #tpu.memory_space<vmem>>
    %dma_start3A_43 = arith.constant 0 : i32
    %dma_start3A_44 = arith.constant 0 : i32
    %dma_start3A_45 = tpu.memref_slice %arg3[%dma_start3A_43, %dma_start3A_44] : memref<1000000x64xf32, #tpu.memory_space<hbm>> -> memref<1000000x64xf32, #tpu.memory_space<hbm>>
    tpu.enqueue_indirect_dma source(%dma_start3A_45 : memref<1000000x64xf32, #tpu.memory_space<hbm>>) target(%dma_start3A_40 : memref<128x64xf32, #tpu.memory_space<vmem>>) offsets(%dma_start3A_42 : memref<128xi32, #tpu.memory_space<vmem>>) semaphore(%arg9 : memref<!tpu.dma_semaphore, #tpu.memory_space<semaphore_mem>>)
    %dma_start3A_46 = arith.constant 2 : i32
    %dma_start3A_47 = arith.constant 0 : i32
    %dma_start3A_48 = arith.constant 0 : i32
    %dma_start3A_49 = tpu.memref_slice %arg6[%dma_start3A_46, %dma_start3A_47, %dma_start3A_48] : memref<4x128x64xf32, #tpu.memory_space<vmem>> -> memref<1x128x64xf32, #tpu.memory_space<vmem>>
    %dma_start3A_50 = tpu.memref_squeeze %dma_start3A_49 : memref<1x128x64xf32, #tpu.memory_space<vmem>> -> memref<128x64xf32, #tpu.memory_space<vmem>>
    %dma_start3A_51 = arith.constant 256 : i32
    %dma_start3A_52 = tpu.memref_slice %arg5[%dma_start3A_51] : memref<25600xi32, #tpu.memory_space<vmem>> -> memref<128xi32, #tpu.memory_space<vmem>>
    %dma_start3A_53 = arith.constant 0 : i32
    %dma_start3A_54 = arith.constant 0 : i32
    %dma_start3A_55 = tpu.memref_slice %arg3[%dma_start3A_53, %dma_start3A_54] : memref<1000000x64xf32, #tpu.memory_space<hbm>> -> memref<1000000x64xf32, #tpu.memory_space<hbm>>
    tpu.enqueue_indirect_dma source(%dma_start3A_55 : memref<1000000x64xf32, #tpu.memory_space<hbm>>) target(%dma_start3A_50 : memref<128x64xf32, #tpu.memory_space<vmem>>) offsets(%dma_start3A_52 : memref<128xi32, #tpu.memory_space<vmem>>) semaphore(%arg10 : memref<!tpu.dma_semaphore, #tpu.memory_space<semaphore_mem>>)
    %dma_start3A_56 = arith.constant 3 : i32
    %dma_start3A_57 = arith.constant 0 : i32
    %dma_start3A_58 = arith.constant 0 : i32
    %dma_start3A_59 = tpu.memref_slice %arg6[%dma_start3A_56, %dma_start3A_57, %dma_start3A_58] : memref<4x128x64xf32, #tpu.memory_space<vmem>> -> memref<1x128x64xf32, #tpu.memory_space<vmem>>
    %dma_start3A_60 = tpu.memref_squeeze %dma_start3A_59 : memref<1x128x64xf32, #tpu.memory_space<vmem>> -> memref<128x64xf32, #tpu.memory_space<vmem>>
    %dma_start3A_61 = arith.constant 384 : i32
    %dma_start3A_62 = tpu.memref_slice %arg5[%dma_start3A_61] : memref<25600xi32, #tpu.memory_space<vmem>> -> memref<128xi32, #tpu.memory_space<vmem>>
    %dma_start3A_63 = arith.constant 0 : i32
    %dma_start3A_64 = arith.constant 0 : i32
    %dma_start3A_65 = tpu.memref_slice %arg3[%dma_start3A_63, %dma_start3A_64] : memref<1000000x64xf32, #tpu.memory_space<hbm>> -> memref<1000000x64xf32, #tpu.memory_space<hbm>>
    tpu.enqueue_indirect_dma source(%dma_start3A_65 : memref<1000000x64xf32, #tpu.memory_space<hbm>>) target(%dma_start3A_60 : memref<128x64xf32, #tpu.memory_space<vmem>>) offsets(%dma_start3A_62 : memref<128xi32, #tpu.memory_space<vmem>>) semaphore(%arg11 : memref<!tpu.dma_semaphore, #tpu.memory_space<semaphore_mem>>)
    %scan3A = arith.constant 0 : i32
    %scan3A_66 = arith.constant 0 : i32
    %scan3A_67 = arith.constant 50 : i32
    %scan3A_68 = arith.addi %scan3A_66, %scan3A_67 : i32
    %scan3A_69 = arith.constant 1 : i32
    scf.for %scan3A_106 = %scan3A_66 to %scan3A_68 step %scan3A_69  : i32 {
      %mul3A_107 = arith.constant 4 : i32
      %mul3A_108 = arith.muli %scan3A_106, %mul3A_107 : i32
      %add3A_109 = arith.constant 0 : i32
      %add3A_110 = arith.addi %mul3A_108, %add3A_109 : i32
      %add3A_111 = arith.constant 0 : i32
      %add3A_112 = arith.addi %mul3A_2, %add3A_111 : i32
      %mul3A_113 = arith.constant 128 : i32
      %mul3A_114 = arith.muli %add3A_110, %mul3A_113 : i32
      %dma_wait3A_115 = arith.constant 0 : i32
      %dma_wait3A_116 = arith.constant 0 : i32
      %dma_wait3A_117 = arith.constant 0 : i32
      %dma_wait3A_118 = tpu.memref_slice %arg6[%dma_wait3A_115, %dma_wait3A_116, %dma_wait3A_117] : memref<4x128x64xf32, #tpu.memory_space<vmem>> -> memref<1x128x64xf32, #tpu.memory_space<vmem>>
      %dma_wait3A_119 = tpu.memref_squeeze %dma_wait3A_118 : memref<1x128x64xf32, #tpu.memory_space<vmem>> -> memref<128x64xf32, #tpu.memory_space<vmem>>
      %dma_wait3A_120 = tpu.memref_slice %arg5[%mul3A_114] : memref<25600xi32, #tpu.memory_space<vmem>> -> memref<128xi32, #tpu.memory_space<vmem>>
      %dma_wait3A_121 = arith.constant 0 : i32
      %dma_wait3A_122 = arith.constant 0 : i32
      %dma_wait3A_123 = tpu.memref_slice %arg3[%dma_wait3A_121, %dma_wait3A_122] : memref<1000000x64xf32, #tpu.memory_space<hbm>> -> memref<1000000x64xf32, #tpu.memory_space<hbm>>
      tpu.wait_indirect_dma semaphore(%arg8 : memref<!tpu.dma_semaphore, #tpu.memory_space<semaphore_mem>>) src(%dma_wait3A_123 : memref<1000000x64xf32, #tpu.memory_space<hbm>>) dst(%dma_wait3A_119 : memref<128x64xf32, #tpu.memory_space<vmem>>)
      %ge3A = arith.constant 2 : i32
      %ge3A_124 = arith.cmpi sge, %add3A_110, %ge3A : i32
      %convert_element_type3A = arith.extui %ge3A_124 : i1 to i32
      %cond3A = arith.constant 0 : i32
      %cond3A_125 = arith.cmpi ne, %convert_element_type3A, %cond3A : i32
      scf.if %cond3A_125 {
        %sub3A = arith.constant 2 : i32
        %sub3A_290 = arith.subi %add3A_110, %sub3A : i32
        %jit3A = arith.constant 4 : i32
        %div3A = arith.divsi %sub3A_290, %jit3A : i32
        %sign3A = arith.constant 0 : i32
        %sign3A_291 = arith.cmpi sgt, %sub3A_290, %sign3A : i32
        %sign3A_292 = arith.extui %sign3A_291 : i1 to i32
        %sign3A_293 = arith.constant 0 : i32
        %sign3A_294 = arith.cmpi slt, %sub3A_290, %sign3A_293 : i32
        %sign3A_295 = arith.extui %sign3A_294 : i1 to i32
        %sign3A_296 = arith.subi %sign3A_292, %sign3A_295 : i32
        %sign3A_297 = arith.constant 0 : i32
        %sign3A_298 = arith.cmpi sgt, %jit3A, %sign3A_297 : i32
        %sign3A_299 = arith.extui %sign3A_298 : i1 to i32
        %sign3A_300 = arith.constant 0 : i32
        %sign3A_301 = arith.cmpi slt, %jit3A, %sign3A_300 : i32
        %sign3A_302 = arith.extui %sign3A_301 : i1 to i32
        %sign3A_303 = arith.subi %sign3A_299, %sign3A_302 : i32
        %ne3A = arith.cmpi ne, %sign3A_296, %sign3A_303 : i32
        %rem3A = arith.remsi %sub3A_290, %jit3A : i32
        %ne3A_304 = arith.constant 0 : i32
        %ne3A_305 = arith.cmpi ne, %rem3A, %ne3A_304 : i32
        %and3A = arith.andi %ne3A, %ne3A_305 : i1
        %sub3A_306 = arith.constant 1 : i32
        %sub3A_307 = arith.subi %div3A, %sub3A_306 : i32
        %select_n3A = arith.select %and3A, %sub3A_307, %div3A : i32
        %jit3A_308 = arith.constant 4 : i32
        %eq3A = arith.constant 0 : i32
        %eq3A_309 = arith.cmpi eq, %jit3A_308, %eq3A : i32
        %jit3A_310 = arith.constant 1 : i32
        %select_n3A_311 = arith.select %eq3A_309, %jit3A_310, %jit3A_308 : i32
        %rem3A_312 = arith.remsi %sub3A_290, %select_n3A_311 : i32
        %ne3A_313 = arith.constant 0 : i32
        %ne3A_314 = arith.cmpi ne, %rem3A_312, %ne3A_313 : i32
        %lt3A_315 = arith.constant 0 : i32
        %lt3A_316 = arith.cmpi slt, %rem3A_312, %lt3A_315 : i32
        %lt3A_317 = arith.constant 0 : i32
        %lt3A_318 = arith.cmpi slt, %select_n3A_311, %lt3A_317 : i32
        %ne3A_319 = arith.xori %lt3A_316, %lt3A_318 : i1
        %and3A_320 = arith.andi %ne3A_319, %ne3A_314 : i1
        %add3A_321 = arith.addi %rem3A_312, %select_n3A_311 : i32
        %select_n3A_322 = arith.select %and3A_320, %add3A_321, %rem3A_312 : i32
        %mul3A_323 = arith.constant 128 : i32
        %mul3A_324 = arith.muli %select_n3A_322, %mul3A_323 : i32
        %add3A_325 = arith.addi %mul3A_2, %mul3A_324 : i32
        %dma_wait3A_326 = arith.constant 0 : i32
        %dma_wait3A_327 = arith.constant 0 : i32
        %dma_wait3A_328 = arith.constant 0 : i32
        %dma_wait3A_329 = tpu.memref_slice %arg7[%dma_wait3A_326, %dma_wait3A_327, %dma_wait3A_328] : memref<2x64x129xf32, #tpu.memory_space<vmem>> -> memref<1x64x128xf32, #tpu.memory_space<vmem>>
        %dma_wait3A_330 = tpu.memref_squeeze %dma_wait3A_329 : memref<1x64x128xf32, #tpu.memory_space<vmem>> -> memref<64x128xf32, #tpu.memory_space<vmem>>
        %dma_wait3A_331 = arith.constant 0 : i32
        %dma_wait3A_332 = tpu.memref_slice %arg4[%select_n3A, %dma_wait3A_331, %add3A_325] : memref<50x64x16384xf32, #tpu.memory_space<hbm>> -> memref<1x64x128xf32, #tpu.memory_space<hbm>>
        %dma_wait3A_333 = tpu.memref_squeeze %dma_wait3A_332 : memref<1x64x128xf32, #tpu.memory_space<hbm>> -> memref<64x128xf32, #tpu.memory_space<hbm>>
        %dma_wait3A_334 = arith.constant 0 : i32
        %dma_wait3A_335 = tpu.memref_slice %arg4[%select_n3A, %dma_wait3A_334, %add3A_325] : memref<50x64x16384xf32, #tpu.memory_space<hbm>> -> memref<1x64x128xf32, #tpu.memory_space<hbm>>
        %dma_wait3A_336 = tpu.memref_squeeze %dma_wait3A_335 : memref<1x64x128xf32, #tpu.memory_space<hbm>> -> memref<64x128xf32, #tpu.memory_space<hbm>>
        %dma_wait3A_337 = arith.constant 0 : i32
        %dma_wait3A_338 = arith.constant 0 : i32
        %dma_wait3A_339 = tpu.memref_slice %arg7[%dma_wait3A_326, %dma_wait3A_337, %dma_wait3A_338] : memref<2x64x129xf32, #tpu.memory_space<vmem>> -> memref<1x64x128xf32, #tpu.memory_space<vmem>>
        %dma_wait3A_340 = tpu.memref_squeeze %dma_wait3A_339 : memref<1x64x128xf32, #tpu.memory_space<vmem>> -> memref<64x128xf32, #tpu.memory_space<vmem>>
        tpu.wait_dma2 semaphore(%arg12 : memref<!tpu.dma_semaphore, #tpu.memory_space<semaphore_mem>>) src(%dma_wait3A_340 : memref<64x128xf32, #tpu.memory_space<vmem>>) dst(%dma_wait3A_336 : memref<64x128xf32, #tpu.memory_space<hbm>>)
      } else {
      }
      %parallel_loop3A = arith.constant 0 : i32
      %parallel_loop3A_126 = arith.constant 128 : i32
      %parallel_loop3A_127 = arith.constant 1 : i32
      scf.for %parallel_loop3A_290 = %parallel_loop3A to %parallel_loop3A_126 step %parallel_loop3A_127  : i32 {
        %parallel_loop3A_291 = arith.constant 0 : i32
        %parallel_loop3A_292 = vector.broadcast %parallel_loop3A_291 : i32 to vector<16xi32>
        %parallel_loop3A_293 = arith.muli %iota3A, %parallel_loop3A_292 : vector<16xi32>
        %parallel_loop3A_294 = vector.broadcast %parallel_loop3A_290 : i32 to vector<16xi32>
        %parallel_loop3A_295 = arith.addi %parallel_loop3A_293, %parallel_loop3A_294 : vector<16xi32>
        %parallel_loop3A_296 = arith.constant 0 : i32
        %parallel_loop3A_297 = arith.index_cast %parallel_loop3A_296 : i32 to index
        %parallel_loop3A_298 = arith.index_cast %parallel_loop3A_290 : i32 to index
        %parallel_loop3A_299 = arith.constant 0 : index
        %parallel_loop3A_300 = tpu.vector_load %arg6[%parallel_loop3A_297, %parallel_loop3A_298, %parallel_loop3A_299] {strides = array<i32>} : memref<4x128x64xf32, #tpu.memory_space<vmem>>, vector<16xf32>,
        %parallel_loop3A_301 = arith.constant 0 : i32
        %parallel_loop3A_302 = arith.constant 0 : i32
        %parallel_loop3A_303 = arith.constant 0 : i32
        %parallel_loop3A_304 = tpu.memref_slice %arg7[%parallel_loop3A_301, %parallel_loop3A_302, %parallel_loop3A_303] : memref<2x64x129xf32, #tpu.memory_space<vmem>> -> memref<1x64x129xf32, #tpu.memory_space<vmem>>
        %parallel_loop3A_305 = tpu.memref_squeeze %parallel_loop3A_304 : memref<1x64x129xf32, #tpu.memory_space<vmem>> -> memref<64x129xf32, #tpu.memory_space<vmem>>
        tpu.vector_store_idx %parallel_loop3A_305[%add3A_5, %parallel_loop3A_295], %parallel_loop3A_300 : memref<64x129xf32, #tpu.memory_space<vmem>>[vector<16xi32>, vector<16xi32>], vector<16xf32>,
        %parallel_loop3A_306 = arith.constant 0 : i32
        %parallel_loop3A_307 = arith.index_cast %parallel_loop3A_306 : i32 to index
        %parallel_loop3A_308 = arith.index_cast %parallel_loop3A_290 : i32 to index
        %parallel_loop3A_309 = arith.constant 16 : index
        %parallel_loop3A_310 = tpu.vector_load %arg6[%parallel_loop3A_307, %parallel_loop3A_308, %parallel_loop3A_309] {strides = array<i32>} : memref<4x128x64xf32, #tpu.memory_space<vmem>>, vector<16xf32>,
        %parallel_loop3A_311 = arith.constant 0 : i32
        %parallel_loop3A_312 = arith.constant 0 : i32
        %parallel_loop3A_313 = arith.constant 0 : i32
        %parallel_loop3A_314 = tpu.memref_slice %arg7[%parallel_loop3A_311, %parallel_loop3A_312, %parallel_loop3A_313] : memref<2x64x129xf32, #tpu.memory_space<vmem>> -> memref<1x64x129xf32, #tpu.memory_space<vmem>>
        %parallel_loop3A_315 = tpu.memref_squeeze %parallel_loop3A_314 : memref<1x64x129xf32, #tpu.memory_space<vmem>> -> memref<64x129xf32, #tpu.memory_space<vmem>>
        tpu.vector_store_idx %parallel_loop3A_315[%add3A_8, %parallel_loop3A_295], %parallel_loop3A_310 : memref<64x129xf32, #tpu.memory_space<vmem>>[vector<16xi32>, vector<16xi32>], vector<16xf32>,
        %parallel_loop3A_316 = arith.constant 0 : i32
        %parallel_loop3A_317 = arith.index_cast %parallel_loop3A_316 : i32 to index
        %parallel_loop3A_318 = arith.index_cast %parallel_loop3A_290 : i32 to index
        %parallel_loop3A_319 = arith.constant 32 : index
        %parallel_loop3A_320 = tpu.vector_load %arg6[%parallel_loop3A_317, %parallel_loop3A_318, %parallel_loop3A_319] {strides = array<i32>} : memref<4x128x64xf32, #tpu.memory_space<vmem>>, vector<16xf32>,
        %parallel_loop3A_321 = arith.constant 0 : i32
        %parallel_loop3A_322 = arith.constant 0 : i32
        %parallel_loop3A_323 = arith.constant 0 : i32
        %parallel_loop3A_324 = tpu.memref_slice %arg7[%parallel_loop3A_321, %parallel_loop3A_322, %parallel_loop3A_323] : memref<2x64x129xf32, #tpu.memory_space<vmem>> -> memref<1x64x129xf32, #tpu.memory_space<vmem>>
        %parallel_loop3A_325 = tpu.memref_squeeze %parallel_loop3A_324 : memref<1x64x129xf32, #tpu.memory_space<vmem>> -> memref<64x129xf32, #tpu.memory_space<vmem>>
        tpu.vector_store_idx %parallel_loop3A_325[%add3A_11, %parallel_loop3A_295], %parallel_loop3A_320 : memref<64x129xf32, #tpu.memory_space<vmem>>[vector<16xi32>, vector<16xi32>], vector<16xf32>,
        %parallel_loop3A_326 = arith.constant 0 : i32
        %parallel_loop3A_327 = arith.index_cast %parallel_loop3A_326 : i32 to index
        %parallel_loop3A_328 = arith.index_cast %parallel_loop3A_290 : i32 to index
        %parallel_loop3A_329 = arith.constant 48 : index
        %parallel_loop3A_330 = tpu.vector_load %arg6[%parallel_loop3A_327, %parallel_loop3A_328, %parallel_loop3A_329] {strides = array<i32>} : memref<4x128x64xf32, #tpu.memory_space<vmem>>, vector<16xf32>,
        %parallel_loop3A_331 = arith.constant 0 : i32
        %parallel_loop3A_332 = arith.constant 0 : i32
        %parallel_loop3A_333 = arith.constant 0 : i32
        %parallel_loop3A_334 = tpu.memref_slice %arg7[%parallel_loop3A_331, %parallel_loop3A_332, %parallel_loop3A_333] : memref<2x64x129xf32, #tpu.memory_space<vmem>> -> memref<1x64x129xf32, #tpu.memory_space<vmem>>
        %parallel_loop3A_335 = tpu.memref_squeeze %parallel_loop3A_334 : memref<1x64x129xf32, #tpu.memory_space<vmem>> -> memref<64x129xf32, #tpu.memory_space<vmem>>
        tpu.vector_store_idx %parallel_loop3A_335[%add3A_14, %parallel_loop3A_295], %parallel_loop3A_330 : memref<64x129xf32, #tpu.memory_space<vmem>>[vector<16xi32>, vector<16xi32>], vector<16xf32>,
      } {sc.loop_unroll_factor = 8 : i64, sc.parallel_access}
      %dma_start3A_128 = arith.constant 0 : i32
      %dma_start3A_129 = arith.constant 0 : i32
      %dma_start3A_130 = arith.constant 0 : i32
      %dma_start3A_131 = tpu.memref_slice %arg7[%dma_start3A_128, %dma_start3A_129, %dma_start3A_130] : memref<2x64x129xf32, #tpu.memory_space<vmem>> -> memref<1x64x128xf32, #tpu.memory_space<vmem>>
      %dma_start3A_132 = tpu.memref_squeeze %dma_start3A_131 : memref<1x64x128xf32, #tpu.memory_space<vmem>> -> memref<64x128xf32, #tpu.memory_space<vmem>>
      %dma_start3A_133 = arith.constant 0 : i32
      %dma_start3A_134 = tpu.memref_slice %arg4[%scan3A_106, %dma_start3A_133, %add3A_112] : memref<50x64x16384xf32, #tpu.memory_space<hbm>> -> memref<1x64x128xf32, #tpu.memory_space<hbm>>
      %dma_start3A_135 = tpu.memref_squeeze %dma_start3A_134 : memref<1x64x128xf32, #tpu.memory_space<hbm>> -> memref<64x128xf32, #tpu.memory_space<hbm>>
      %dma_start3A_136 = arith.constant 0 : i32
      %dma_start3A_137 = tpu.memref_slice %arg4[%scan3A_106, %dma_start3A_136, %add3A_112] : memref<50x64x16384xf32, #tpu.memory_space<hbm>> -> memref<1x64x128xf32, #tpu.memory_space<hbm>>
      %dma_start3A_138 = tpu.memref_squeeze %dma_start3A_137 : memref<1x64x128xf32, #tpu.memory_space<hbm>> -> memref<64x128xf32, #tpu.memory_space<hbm>>
      %dma_start3A_139 = arith.constant 0 : i32
      %dma_start3A_140 = arith.constant 0 : i32
      %dma_start3A_141 = tpu.memref_slice %arg7[%dma_start3A_128, %dma_start3A_139, %dma_start3A_140] : memref<2x64x129xf32, #tpu.memory_space<vmem>> -> memref<1x64x128xf32, #tpu.memory_space<vmem>>
      %dma_start3A_142 = tpu.memref_squeeze %dma_start3A_141 : memref<1x64x128xf32, #tpu.memory_space<vmem>> -> memref<64x128xf32, #tpu.memory_space<vmem>>
      tpu.enqueue_dma source(%dma_start3A_142 : memref<64x128xf32, #tpu.memory_space<vmem>>) target(%dma_start3A_138 : memref<64x128xf32, #tpu.memory_space<hbm>>) target_semaphore(%arg12 : memref<!tpu.dma_semaphore, #tpu.memory_space<semaphore_mem>>)
      %add3A_143 = arith.constant 1 : i32
      %add3A_144 = arith.addi %scan3A_106, %add3A_143 : i32
      %lt3A = arith.constant 50 : i32
      %lt3A_145 = arith.cmpi slt, %add3A_144, %lt3A : i32
      %convert_element_type3A_146 = arith.extui %lt3A_145 : i1 to i32
      %cond3A_147 = arith.constant 0 : i32
      %cond3A_148 = arith.cmpi ne, %convert_element_type3A_146, %cond3A_147 : i32
      scf.if %cond3A_148 {
        %add3A_290 = arith.constant 4 : i32
        %add3A_291 = arith.addi %add3A_110, %add3A_290 : i32
        %mul3A_292 = arith.constant 128 : i32
        %mul3A_293 = arith.muli %add3A_291, %mul3A_292 : i32
        %dma_start3A_294 = arith.constant 0 : i32
        %dma_start3A_295 = arith.constant 0 : i32
        %dma_start3A_296 = arith.constant 0 : i32
        %dma_start3A_297 = tpu.memref_slice %arg6[%dma_start3A_294, %dma_start3A_295, %dma_start3A_296] : memref<4x128x64xf32, #tpu.memory_space<vmem>> -> memref<1x128x64xf32, #tpu.memory_space<vmem>>
        %dma_start3A_298 = tpu.memref_squeeze %dma_start3A_297 : memref<1x128x64xf32, #tpu.memory_space<vmem>> -> memref<128x64xf32, #tpu.memory_space<vmem>>
        %dma_start3A_299 = tpu.memref_slice %arg5[%mul3A_293] : memref<25600xi32, #tpu.memory_space<vmem>> -> memref<128xi32, #tpu.memory_space<vmem>>
        %dma_start3A_300 = arith.constant 0 : i32
        %dma_start3A_301 = arith.constant 0 : i32
        %dma_start3A_302 = tpu.memref_slice %arg3[%dma_start3A_300, %dma_start3A_301] : memref<1000000x64xf32, #tpu.memory_space<hbm>> -> memref<1000000x64xf32, #tpu.memory_space<hbm>>
        tpu.enqueue_indirect_dma source(%dma_start3A_302 : memref<1000000x64xf32, #tpu.memory_space<hbm>>) target(%dma_start3A_298 : memref<128x64xf32, #tpu.memory_space<vmem>>) offsets(%dma_start3A_299 : memref<128xi32, #tpu.memory_space<vmem>>) semaphore(%arg8 : memref<!tpu.dma_semaphore, #tpu.memory_space<semaphore_mem>>)
      } else {
      }
      %mul3A_149 = arith.constant 4 : i32
      %mul3A_150 = arith.muli %scan3A_106, %mul3A_149 : i32
      %add3A_151 = arith.constant 1 : i32
      %add3A_152 = arith.addi %mul3A_150, %add3A_151 : i32
      %add3A_153 = arith.constant 128 : i32
      %add3A_154 = arith.addi %mul3A_2, %add3A_153 : i32
      %mul3A_155 = arith.constant 128 : i32
      %mul3A_156 = arith.muli %add3A_152, %mul3A_155 : i32
      %dma_wait3A_157 = arith.constant 1 : i32
      %dma_wait3A_158 = arith.constant 0 : i32
      %dma_wait3A_159 = arith.constant 0 : i32
      %dma_wait3A_160 = tpu.memref_slice %arg6[%dma_wait3A_157, %dma_wait3A_158, %dma_wait3A_159] : memref<4x128x64xf32, #tpu.memory_space<vmem>> -> memref<1x128x64xf32, #tpu.memory_space<vmem>>
      %dma_wait3A_161 = tpu.memref_squeeze %dma_wait3A_160 : memref<1x128x64xf32, #tpu.memory_space<vmem>> -> memref<128x64xf32, #tpu.memory_space<vmem>>
      %dma_wait3A_162 = tpu.memref_slice %arg5[%mul3A_156] : memref<25600xi32, #tpu.memory_space<vmem>> -> memref<128xi32, #tpu.memory_space<vmem>>
      %dma_wait3A_163 = arith.constant 0 : i32
      %dma_wait3A_164 = arith.constant 0 : i32
      %dma_wait3A_165 = tpu.memref_slice %arg3[%dma_wait3A_163, %dma_wait3A_164] : memref<1000000x64xf32, #tpu.memory_space<hbm>> -> memref<1000000x64xf32, #tpu.memory_space<hbm>>
      tpu.wait_indirect_dma semaphore(%arg9 : memref<!tpu.dma_semaphore, #tpu.memory_space<semaphore_mem>>) src(%dma_wait3A_165 : memref<1000000x64xf32, #tpu.memory_space<hbm>>) dst(%dma_wait3A_161 : memref<128x64xf32, #tpu.memory_space<vmem>>)
      %ge3A_166 = arith.constant 2 : i32
      %ge3A_167 = arith.cmpi sge, %add3A_152, %ge3A_166 : i32
      %convert_element_type3A_168 = arith.extui %ge3A_167 : i1 to i32
      %cond3A_169 = arith.constant 0 : i32
      %cond3A_170 = arith.cmpi ne, %convert_element_type3A_168, %cond3A_169 : i32
      scf.if %cond3A_170 {
        %sub3A = arith.constant 2 : i32
        %sub3A_290 = arith.subi %add3A_152, %sub3A : i32
        %jit3A = arith.constant 4 : i32
        %div3A = arith.divsi %sub3A_290, %jit3A : i32
        %sign3A = arith.constant 0 : i32
        %sign3A_291 = arith.cmpi sgt, %sub3A_290, %sign3A : i32
        %sign3A_292 = arith.extui %sign3A_291 : i1 to i32
        %sign3A_293 = arith.constant 0 : i32
        %sign3A_294 = arith.cmpi slt, %sub3A_290, %sign3A_293 : i32
        %sign3A_295 = arith.extui %sign3A_294 : i1 to i32
        %sign3A_296 = arith.subi %sign3A_292, %sign3A_295 : i32
        %sign3A_297 = arith.constant 0 : i32
        %sign3A_298 = arith.cmpi sgt, %jit3A, %sign3A_297 : i32
        %sign3A_299 = arith.extui %sign3A_298 : i1 to i32
        %sign3A_300 = arith.constant 0 : i32
        %sign3A_301 = arith.cmpi slt, %jit3A, %sign3A_300 : i32
        %sign3A_302 = arith.extui %sign3A_301 : i1 to i32
        %sign3A_303 = arith.subi %sign3A_299, %sign3A_302 : i32
        %ne3A = arith.cmpi ne, %sign3A_296, %sign3A_303 : i32
        %rem3A = arith.remsi %sub3A_290, %jit3A : i32
        %ne3A_304 = arith.constant 0 : i32
        %ne3A_305 = arith.cmpi ne, %rem3A, %ne3A_304 : i32
        %and3A = arith.andi %ne3A, %ne3A_305 : i1
        %sub3A_306 = arith.constant 1 : i32
        %sub3A_307 = arith.subi %div3A, %sub3A_306 : i32
        %select_n3A = arith.select %and3A, %sub3A_307, %div3A : i32
        %jit3A_308 = arith.constant 4 : i32
        %eq3A = arith.constant 0 : i32
        %eq3A_309 = arith.cmpi eq, %jit3A_308, %eq3A : i32
        %jit3A_310 = arith.constant 1 : i32
        %select_n3A_311 = arith.select %eq3A_309, %jit3A_310, %jit3A_308 : i32
        %rem3A_312 = arith.remsi %sub3A_290, %select_n3A_311 : i32
        %ne3A_313 = arith.constant 0 : i32
        %ne3A_314 = arith.cmpi ne, %rem3A_312, %ne3A_313 : i32
        %lt3A_315 = arith.constant 0 : i32
        %lt3A_316 = arith.cmpi slt, %rem3A_312, %lt3A_315 : i32
        %lt3A_317 = arith.constant 0 : i32
        %lt3A_318 = arith.cmpi slt, %select_n3A_311, %lt3A_317 : i32
        %ne3A_319 = arith.xori %lt3A_316, %lt3A_318 : i1
        %and3A_320 = arith.andi %ne3A_319, %ne3A_314 : i1
        %add3A_321 = arith.addi %rem3A_312, %select_n3A_311 : i32
        %select_n3A_322 = arith.select %and3A_320, %add3A_321, %rem3A_312 : i32
        %mul3A_323 = arith.constant 128 : i32
        %mul3A_324 = arith.muli %select_n3A_322, %mul3A_323 : i32
        %add3A_325 = arith.addi %mul3A_2, %mul3A_324 : i32
        %dma_wait3A_326 = arith.constant 1 : i32
        %dma_wait3A_327 = arith.constant 0 : i32
        %dma_wait3A_328 = arith.constant 0 : i32
        %dma_wait3A_329 = tpu.memref_slice %arg7[%dma_wait3A_326, %dma_wait3A_327, %dma_wait3A_328] : memref<2x64x129xf32, #tpu.memory_space<vmem>> -> memref<1x64x128xf32, #tpu.memory_space<vmem>>
        %dma_wait3A_330 = tpu.memref_squeeze %dma_wait3A_329 : memref<1x64x128xf32, #tpu.memory_space<vmem>> -> memref<64x128xf32, #tpu.memory_space<vmem>>
        %dma_wait3A_331 = arith.constant 0 : i32
        %dma_wait3A_332 = tpu.memref_slice %arg4[%select_n3A, %dma_wait3A_331, %add3A_325] : memref<50x64x16384xf32, #tpu.memory_space<hbm>> -> memref<1x64x128xf32, #tpu.memory_space<hbm>>
        %dma_wait3A_333 = tpu.memref_squeeze %dma_wait3A_332 : memref<1x64x128xf32, #tpu.memory_space<hbm>> -> memref<64x128xf32, #tpu.memory_space<hbm>>
        %dma_wait3A_334 = arith.constant 0 : i32
        %dma_wait3A_335 = tpu.memref_slice %arg4[%select_n3A, %dma_wait3A_334, %add3A_325] : memref<50x64x16384xf32, #tpu.memory_space<hbm>> -> memref<1x64x128xf32, #tpu.memory_space<hbm>>
        %dma_wait3A_336 = tpu.memref_squeeze %dma_wait3A_335 : memref<1x64x128xf32, #tpu.memory_space<hbm>> -> memref<64x128xf32, #tpu.memory_space<hbm>>
        %dma_wait3A_337 = arith.constant 0 : i32
        %dma_wait3A_338 = arith.constant 0 : i32
        %dma_wait3A_339 = tpu.memref_slice %arg7[%dma_wait3A_326, %dma_wait3A_337, %dma_wait3A_338] : memref<2x64x129xf32, #tpu.memory_space<vmem>> -> memref<1x64x128xf32, #tpu.memory_space<vmem>>
        %dma_wait3A_340 = tpu.memref_squeeze %dma_wait3A_339 : memref<1x64x128xf32, #tpu.memory_space<vmem>> -> memref<64x128xf32, #tpu.memory_space<vmem>>
        tpu.wait_dma2 semaphore(%arg13 : memref<!tpu.dma_semaphore, #tpu.memory_space<semaphore_mem>>) src(%dma_wait3A_340 : memref<64x128xf32, #tpu.memory_space<vmem>>) dst(%dma_wait3A_336 : memref<64x128xf32, #tpu.memory_space<hbm>>)
      } else {
      }
      %parallel_loop3A_171 = arith.constant 0 : i32
      %parallel_loop3A_172 = arith.constant 128 : i32
      %parallel_loop3A_173 = arith.constant 1 : i32
      scf.for %parallel_loop3A_290 = %parallel_loop3A_171 to %parallel_loop3A_172 step %parallel_loop3A_173  : i32 {
        %parallel_loop3A_291 = arith.constant 0 : i32
        %parallel_loop3A_292 = vector.broadcast %parallel_loop3A_291 : i32 to vector<16xi32>
        %parallel_loop3A_293 = arith.muli %iota3A, %parallel_loop3A_292 : vector<16xi32>
        %parallel_loop3A_294 = vector.broadcast %parallel_loop3A_290 : i32 to vector<16xi32>
        %parallel_loop3A_295 = arith.addi %parallel_loop3A_293, %parallel_loop3A_294 : vector<16xi32>
        %parallel_loop3A_296 = arith.constant 1 : i32
        %parallel_loop3A_297 = arith.index_cast %parallel_loop3A_296 : i32 to index
        %parallel_loop3A_298 = arith.index_cast %parallel_loop3A_290 : i32 to index
        %parallel_loop3A_299 = arith.constant 0 : index
        %parallel_loop3A_300 = tpu.vector_load %arg6[%parallel_loop3A_297, %parallel_loop3A_298, %parallel_loop3A_299] {strides = array<i32>} : memref<4x128x64xf32, #tpu.memory_space<vmem>>, vector<16xf32>,
        %parallel_loop3A_301 = arith.constant 1 : i32
        %parallel_loop3A_302 = arith.constant 0 : i32
        %parallel_loop3A_303 = arith.constant 0 : i32
        %parallel_loop3A_304 = tpu.memref_slice %arg7[%parallel_loop3A_301, %parallel_loop3A_302, %parallel_loop3A_303] : memref<2x64x129xf32, #tpu.memory_space<vmem>> -> memref<1x64x129xf32, #tpu.memory_space<vmem>>
        %parallel_loop3A_305 = tpu.memref_squeeze %parallel_loop3A_304 : memref<1x64x129xf32, #tpu.memory_space<vmem>> -> memref<64x129xf32, #tpu.memory_space<vmem>>
        tpu.vector_store_idx %parallel_loop3A_305[%add3A_5, %parallel_loop3A_295], %parallel_loop3A_300 : memref<64x129xf32, #tpu.memory_space<vmem>>[vector<16xi32>, vector<16xi32>], vector<16xf32>,
        %parallel_loop3A_306 = arith.constant 1 : i32
        %parallel_loop3A_307 = arith.index_cast %parallel_loop3A_306 : i32 to index
        %parallel_loop3A_308 = arith.index_cast %parallel_loop3A_290 : i32 to index
        %parallel_loop3A_309 = arith.constant 16 : index
        %parallel_loop3A_310 = tpu.vector_load %arg6[%parallel_loop3A_307, %parallel_loop3A_308, %parallel_loop3A_309] {strides = array<i32>} : memref<4x128x64xf32, #tpu.memory_space<vmem>>, vector<16xf32>,
        %parallel_loop3A_311 = arith.constant 1 : i32
        %parallel_loop3A_312 = arith.constant 0 : i32
        %parallel_loop3A_313 = arith.constant 0 : i32
        %parallel_loop3A_314 = tpu.memref_slice %arg7[%parallel_loop3A_311, %parallel_loop3A_312, %parallel_loop3A_313] : memref<2x64x129xf32, #tpu.memory_space<vmem>> -> memref<1x64x129xf32, #tpu.memory_space<vmem>>
        %parallel_loop3A_315 = tpu.memref_squeeze %parallel_loop3A_314 : memref<1x64x129xf32, #tpu.memory_space<vmem>> -> memref<64x129xf32, #tpu.memory_space<vmem>>
        tpu.vector_store_idx %parallel_loop3A_315[%add3A_8, %parallel_loop3A_295], %parallel_loop3A_310 : memref<64x129xf32, #tpu.memory_space<vmem>>[vector<16xi32>, vector<16xi32>], vector<16xf32>,
        %parallel_loop3A_316 = arith.constant 1 : i32
        %parallel_loop3A_317 = arith.index_cast %parallel_loop3A_316 : i32 to index
        %parallel_loop3A_318 = arith.index_cast %parallel_loop3A_290 : i32 to index
        %parallel_loop3A_319 = arith.constant 32 : index
        %parallel_loop3A_320 = tpu.vector_load %arg6[%parallel_loop3A_317, %parallel_loop3A_318, %parallel_loop3A_319] {strides = array<i32>} : memref<4x128x64xf32, #tpu.memory_space<vmem>>, vector<16xf32>,
        %parallel_loop3A_321 = arith.constant 1 : i32
        %parallel_loop3A_322 = arith.constant 0 : i32
        %parallel_loop3A_323 = arith.constant 0 : i32
        %parallel_loop3A_324 = tpu.memref_slice %arg7[%parallel_loop3A_321, %parallel_loop3A_322, %parallel_loop3A_323] : memref<2x64x129xf32, #tpu.memory_space<vmem>> -> memref<1x64x129xf32, #tpu.memory_space<vmem>>
        %parallel_loop3A_325 = tpu.memref_squeeze %parallel_loop3A_324 : memref<1x64x129xf32, #tpu.memory_space<vmem>> -> memref<64x129xf32, #tpu.memory_space<vmem>>
        tpu.vector_store_idx %parallel_loop3A_325[%add3A_11, %parallel_loop3A_295], %parallel_loop3A_320 : memref<64x129xf32, #tpu.memory_space<vmem>>[vector<16xi32>, vector<16xi32>], vector<16xf32>,
        %parallel_loop3A_326 = arith.constant 1 : i32
        %parallel_loop3A_327 = arith.index_cast %parallel_loop3A_326 : i32 to index
        %parallel_loop3A_328 = arith.index_cast %parallel_loop3A_290 : i32 to index
        %parallel_loop3A_329 = arith.constant 48 : index
        %parallel_loop3A_330 = tpu.vector_load %arg6[%parallel_loop3A_327, %parallel_loop3A_328, %parallel_loop3A_329] {strides = array<i32>} : memref<4x128x64xf32, #tpu.memory_space<vmem>>, vector<16xf32>,
        %parallel_loop3A_331 = arith.constant 1 : i32
        %parallel_loop3A_332 = arith.constant 0 : i32
        %parallel_loop3A_333 = arith.constant 0 : i32
        %parallel_loop3A_334 = tpu.memref_slice %arg7[%parallel_loop3A_331, %parallel_loop3A_332, %parallel_loop3A_333] : memref<2x64x129xf32, #tpu.memory_space<vmem>> -> memref<1x64x129xf32, #tpu.memory_space<vmem>>
        %parallel_loop3A_335 = tpu.memref_squeeze %parallel_loop3A_334 : memref<1x64x129xf32, #tpu.memory_space<vmem>> -> memref<64x129xf32, #tpu.memory_space<vmem>>
        tpu.vector_store_idx %parallel_loop3A_335[%add3A_14, %parallel_loop3A_295], %parallel_loop3A_330 : memref<64x129xf32, #tpu.memory_space<vmem>>[vector<16xi32>, vector<16xi32>], vector<16xf32>,
      } {sc.loop_unroll_factor = 8 : i64, sc.parallel_access}
      %dma_start3A_174 = arith.constant 1 : i32
      %dma_start3A_175 = arith.constant 0 : i32
      %dma_start3A_176 = arith.constant 0 : i32
      %dma_start3A_177 = tpu.memref_slice %arg7[%dma_start3A_174, %dma_start3A_175, %dma_start3A_176] : memref<2x64x129xf32, #tpu.memory_space<vmem>> -> memref<1x64x128xf32, #tpu.memory_space<vmem>>
      %dma_start3A_178 = tpu.memref_squeeze %dma_start3A_177 : memref<1x64x128xf32, #tpu.memory_space<vmem>> -> memref<64x128xf32, #tpu.memory_space<vmem>>
      %dma_start3A_179 = arith.constant 0 : i32
      %dma_start3A_180 = tpu.memref_slice %arg4[%scan3A_106, %dma_start3A_179, %add3A_154] : memref<50x64x16384xf32, #tpu.memory_space<hbm>> -> memref<1x64x128xf32, #tpu.memory_space<hbm>>
      %dma_start3A_181 = tpu.memref_squeeze %dma_start3A_180 : memref<1x64x128xf32, #tpu.memory_space<hbm>> -> memref<64x128xf32, #tpu.memory_space<hbm>>
      %dma_start3A_182 = arith.constant 0 : i32
      %dma_start3A_183 = tpu.memref_slice %arg4[%scan3A_106, %dma_start3A_182, %add3A_154] : memref<50x64x16384xf32, #tpu.memory_space<hbm>> -> memref<1x64x128xf32, #tpu.memory_space<hbm>>
      %dma_start3A_184 = tpu.memref_squeeze %dma_start3A_183 : memref<1x64x128xf32, #tpu.memory_space<hbm>> -> memref<64x128xf32, #tpu.memory_space<hbm>>
      %dma_start3A_185 = arith.constant 0 : i32
      %dma_start3A_186 = arith.constant 0 : i32
      %dma_start3A_187 = tpu.memref_slice %arg7[%dma_start3A_174, %dma_start3A_185, %dma_start3A_186] : memref<2x64x129xf32, #tpu.memory_space<vmem>> -> memref<1x64x128xf32, #tpu.memory_space<vmem>>
      %dma_start3A_188 = tpu.memref_squeeze %dma_start3A_187 : memref<1x64x128xf32, #tpu.memory_space<vmem>> -> memref<64x128xf32, #tpu.memory_space<vmem>>
      tpu.enqueue_dma source(%dma_start3A_188 : memref<64x128xf32, #tpu.memory_space<vmem>>) target(%dma_start3A_184 : memref<64x128xf32, #tpu.memory_space<hbm>>) target_semaphore(%arg13 : memref<!tpu.dma_semaphore, #tpu.memory_space<semaphore_mem>>)
      %add3A_189 = arith.constant 1 : i32
      %add3A_190 = arith.addi %scan3A_106, %add3A_189 : i32
      %lt3A_191 = arith.constant 50 : i32
      %lt3A_192 = arith.cmpi slt, %add3A_190, %lt3A_191 : i32
      %convert_element_type3A_193 = arith.extui %lt3A_192 : i1 to i32
      %cond3A_194 = arith.constant 0 : i32
      %cond3A_195 = arith.cmpi ne, %convert_element_type3A_193, %cond3A_194 : i32
      scf.if %cond3A_195 {
        %add3A_290 = arith.constant 4 : i32
        %add3A_291 = arith.addi %add3A_152, %add3A_290 : i32
        %mul3A_292 = arith.constant 128 : i32
        %mul3A_293 = arith.muli %add3A_291, %mul3A_292 : i32
        %dma_start3A_294 = arith.constant 1 : i32
        %dma_start3A_295 = arith.constant 0 : i32
        %dma_start3A_296 = arith.constant 0 : i32
        %dma_start3A_297 = tpu.memref_slice %arg6[%dma_start3A_294, %dma_start3A_295, %dma_start3A_296] : memref<4x128x64xf32, #tpu.memory_space<vmem>> -> memref<1x128x64xf32, #tpu.memory_space<vmem>>
        %dma_start3A_298 = tpu.memref_squeeze %dma_start3A_297 : memref<1x128x64xf32, #tpu.memory_space<vmem>> -> memref<128x64xf32, #tpu.memory_space<vmem>>
        %dma_start3A_299 = tpu.memref_slice %arg5[%mul3A_293] : memref<25600xi32, #tpu.memory_space<vmem>> -> memref<128xi32, #tpu.memory_space<vmem>>
        %dma_start3A_300 = arith.constant 0 : i32
        %dma_start3A_301 = arith.constant 0 : i32
        %dma_start3A_302 = tpu.memref_slice %arg3[%dma_start3A_300, %dma_start3A_301] : memref<1000000x64xf32, #tpu.memory_space<hbm>> -> memref<1000000x64xf32, #tpu.memory_space<hbm>>
        tpu.enqueue_indirect_dma source(%dma_start3A_302 : memref<1000000x64xf32, #tpu.memory_space<hbm>>) target(%dma_start3A_298 : memref<128x64xf32, #tpu.memory_space<vmem>>) offsets(%dma_start3A_299 : memref<128xi32, #tpu.memory_space<vmem>>) semaphore(%arg9 : memref<!tpu.dma_semaphore, #tpu.memory_space<semaphore_mem>>)
      } else {
      }
      %mul3A_196 = arith.constant 4 : i32
      %mul3A_197 = arith.muli %scan3A_106, %mul3A_196 : i32
      %add3A_198 = arith.constant 2 : i32
      %add3A_199 = arith.addi %mul3A_197, %add3A_198 : i32
      %add3A_200 = arith.constant 256 : i32
      %add3A_201 = arith.addi %mul3A_2, %add3A_200 : i32
      %mul3A_202 = arith.constant 128 : i32
      %mul3A_203 = arith.muli %add3A_199, %mul3A_202 : i32
      %dma_wait3A_204 = arith.constant 2 : i32
      %dma_wait3A_205 = arith.constant 0 : i32
      %dma_wait3A_206 = arith.constant 0 : i32
      %dma_wait3A_207 = tpu.memref_slice %arg6[%dma_wait3A_204, %dma_wait3A_205, %dma_wait3A_206] : memref<4x128x64xf32, #tpu.memory_space<vmem>> -> memref<1x128x64xf32, #tpu.memory_space<vmem>>
      %dma_wait3A_208 = tpu.memref_squeeze %dma_wait3A_207 : memref<1x128x64xf32, #tpu.memory_space<vmem>> -> memref<128x64xf32, #tpu.memory_space<vmem>>
      %dma_wait3A_209 = tpu.memref_slice %arg5[%mul3A_203] : memref<25600xi32, #tpu.memory_space<vmem>> -> memref<128xi32, #tpu.memory_space<vmem>>
      %dma_wait3A_210 = arith.constant 0 : i32
      %dma_wait3A_211 = arith.constant 0 : i32
      %dma_wait3A_212 = tpu.memref_slice %arg3[%dma_wait3A_210, %dma_wait3A_211] : memref<1000000x64xf32, #tpu.memory_space<hbm>> -> memref<1000000x64xf32, #tpu.memory_space<hbm>>
      tpu.wait_indirect_dma semaphore(%arg10 : memref<!tpu.dma_semaphore, #tpu.memory_space<semaphore_mem>>) src(%dma_wait3A_212 : memref<1000000x64xf32, #tpu.memory_space<hbm>>) dst(%dma_wait3A_208 : memref<128x64xf32, #tpu.memory_space<vmem>>)
      %ge3A_213 = arith.constant 2 : i32
      %ge3A_214 = arith.cmpi sge, %add3A_199, %ge3A_213 : i32
      %convert_element_type3A_215 = arith.extui %ge3A_214 : i1 to i32
      %cond3A_216 = arith.constant 0 : i32
      %cond3A_217 = arith.cmpi ne, %convert_element_type3A_215, %cond3A_216 : i32
      scf.if %cond3A_217 {
        %sub3A = arith.constant 2 : i32
        %sub3A_290 = arith.subi %add3A_199, %sub3A : i32
        %jit3A = arith.constant 4 : i32
        %div3A = arith.divsi %sub3A_290, %jit3A : i32
        %sign3A = arith.constant 0 : i32
        %sign3A_291 = arith.cmpi sgt, %sub3A_290, %sign3A : i32
        %sign3A_292 = arith.extui %sign3A_291 : i1 to i32
        %sign3A_293 = arith.constant 0 : i32
        %sign3A_294 = arith.cmpi slt, %sub3A_290, %sign3A_293 : i32
        %sign3A_295 = arith.extui %sign3A_294 : i1 to i32
        %sign3A_296 = arith.subi %sign3A_292, %sign3A_295 : i32
        %sign3A_297 = arith.constant 0 : i32
        %sign3A_298 = arith.cmpi sgt, %jit3A, %sign3A_297 : i32
        %sign3A_299 = arith.extui %sign3A_298 : i1 to i32
        %sign3A_300 = arith.constant 0 : i32
        %sign3A_301 = arith.cmpi slt, %jit3A, %sign3A_300 : i32
        %sign3A_302 = arith.extui %sign3A_301 : i1 to i32
        %sign3A_303 = arith.subi %sign3A_299, %sign3A_302 : i32
        %ne3A = arith.cmpi ne, %sign3A_296, %sign3A_303 : i32
        %rem3A = arith.remsi %sub3A_290, %jit3A : i32
        %ne3A_304 = arith.constant 0 : i32
        %ne3A_305 = arith.cmpi ne, %rem3A, %ne3A_304 : i32
        %and3A = arith.andi %ne3A, %ne3A_305 : i1
        %sub3A_306 = arith.constant 1 : i32
        %sub3A_307 = arith.subi %div3A, %sub3A_306 : i32
        %select_n3A = arith.select %and3A, %sub3A_307, %div3A : i32
        %jit3A_308 = arith.constant 4 : i32
        %eq3A = arith.constant 0 : i32
        %eq3A_309 = arith.cmpi eq, %jit3A_308, %eq3A : i32
        %jit3A_310 = arith.constant 1 : i32
        %select_n3A_311 = arith.select %eq3A_309, %jit3A_310, %jit3A_308 : i32
        %rem3A_312 = arith.remsi %sub3A_290, %select_n3A_311 : i32
        %ne3A_313 = arith.constant 0 : i32
        %ne3A_314 = arith.cmpi ne, %rem3A_312, %ne3A_313 : i32
        %lt3A_315 = arith.constant 0 : i32
        %lt3A_316 = arith.cmpi slt, %rem3A_312, %lt3A_315 : i32
        %lt3A_317 = arith.constant 0 : i32
        %lt3A_318 = arith.cmpi slt, %select_n3A_311, %lt3A_317 : i32
        %ne3A_319 = arith.xori %lt3A_316, %lt3A_318 : i1
        %and3A_320 = arith.andi %ne3A_319, %ne3A_314 : i1
        %add3A_321 = arith.addi %rem3A_312, %select_n3A_311 : i32
        %select_n3A_322 = arith.select %and3A_320, %add3A_321, %rem3A_312 : i32
        %mul3A_323 = arith.constant 128 : i32
        %mul3A_324 = arith.muli %select_n3A_322, %mul3A_323 : i32
        %add3A_325 = arith.addi %mul3A_2, %mul3A_324 : i32
        %dma_wait3A_326 = arith.constant 0 : i32
        %dma_wait3A_327 = arith.constant 0 : i32
        %dma_wait3A_328 = arith.constant 0 : i32
        %dma_wait3A_329 = tpu.memref_slice %arg7[%dma_wait3A_326, %dma_wait3A_327, %dma_wait3A_328] : memref<2x64x129xf32, #tpu.memory_space<vmem>> -> memref<1x64x128xf32, #tpu.memory_space<vmem>>
        %dma_wait3A_330 = tpu.memref_squeeze %dma_wait3A_329 : memref<1x64x128xf32, #tpu.memory_space<vmem>> -> memref<64x128xf32, #tpu.memory_space<vmem>>
        %dma_wait3A_331 = arith.constant 0 : i32
        %dma_wait3A_332 = tpu.memref_slice %arg4[%select_n3A, %dma_wait3A_331, %add3A_325] : memref<50x64x16384xf32, #tpu.memory_space<hbm>> -> memref<1x64x128xf32, #tpu.memory_space<hbm>>
        %dma_wait3A_333 = tpu.memref_squeeze %dma_wait3A_332 : memref<1x64x128xf32, #tpu.memory_space<hbm>> -> memref<64x128xf32, #tpu.memory_space<hbm>>
        %dma_wait3A_334 = arith.constant 0 : i32
        %dma_wait3A_335 = tpu.memref_slice %arg4[%select_n3A, %dma_wait3A_334, %add3A_325] : memref<50x64x16384xf32, #tpu.memory_space<hbm>> -> memref<1x64x128xf32, #tpu.memory_space<hbm>>
        %dma_wait3A_336 = tpu.memref_squeeze %dma_wait3A_335 : memref<1x64x128xf32, #tpu.memory_space<hbm>> -> memref<64x128xf32, #tpu.memory_space<hbm>>
        %dma_wait3A_337 = arith.constant 0 : i32
        %dma_wait3A_338 = arith.constant 0 : i32
        %dma_wait3A_339 = tpu.memref_slice %arg7[%dma_wait3A_326, %dma_wait3A_337, %dma_wait3A_338] : memref<2x64x129xf32, #tpu.memory_space<vmem>> -> memref<1x64x128xf32, #tpu.memory_space<vmem>>
        %dma_wait3A_340 = tpu.memref_squeeze %dma_wait3A_339 : memref<1x64x128xf32, #tpu.memory_space<vmem>> -> memref<64x128xf32, #tpu.memory_space<vmem>>
        tpu.wait_dma2 semaphore(%arg12 : memref<!tpu.dma_semaphore, #tpu.memory_space<semaphore_mem>>) src(%dma_wait3A_340 : memref<64x128xf32, #tpu.memory_space<vmem>>) dst(%dma_wait3A_336 : memref<64x128xf32, #tpu.memory_space<hbm>>)
      } else {
      }
      %parallel_loop3A_218 = arith.constant 0 : i32
      %parallel_loop3A_219 = arith.constant 128 : i32
      %parallel_loop3A_220 = arith.constant 1 : i32
      scf.for %parallel_loop3A_290 = %parallel_loop3A_218 to %parallel_loop3A_219 step %parallel_loop3A_220  : i32 {
        %parallel_loop3A_291 = arith.constant 0 : i32
        %parallel_loop3A_292 = vector.broadcast %parallel_loop3A_291 : i32 to vector<16xi32>
        %parallel_loop3A_293 = arith.muli %iota3A, %parallel_loop3A_292 : vector<16xi32>
        %parallel_loop3A_294 = vector.broadcast %parallel_loop3A_290 : i32 to vector<16xi32>
        %parallel_loop3A_295 = arith.addi %parallel_loop3A_293, %parallel_loop3A_294 : vector<16xi32>
        %parallel_loop3A_296 = arith.constant 2 : i32
        %parallel_loop3A_297 = arith.index_cast %parallel_loop3A_296 : i32 to index
        %parallel_loop3A_298 = arith.index_cast %parallel_loop3A_290 : i32 to index
        %parallel_loop3A_299 = arith.constant 0 : index
        %parallel_loop3A_300 = tpu.vector_load %arg6[%parallel_loop3A_297, %parallel_loop3A_298, %parallel_loop3A_299] {strides = array<i32>} : memref<4x128x64xf32, #tpu.memory_space<vmem>>, vector<16xf32>,
        %parallel_loop3A_301 = arith.constant 0 : i32
        %parallel_loop3A_302 = arith.constant 0 : i32
        %parallel_loop3A_303 = arith.constant 0 : i32
        %parallel_loop3A_304 = tpu.memref_slice %arg7[%parallel_loop3A_301, %parallel_loop3A_302, %parallel_loop3A_303] : memref<2x64x129xf32, #tpu.memory_space<vmem>> -> memref<1x64x129xf32, #tpu.memory_space<vmem>>
        %parallel_loop3A_305 = tpu.memref_squeeze %parallel_loop3A_304 : memref<1x64x129xf32, #tpu.memory_space<vmem>> -> memref<64x129xf32, #tpu.memory_space<vmem>>
        tpu.vector_store_idx %parallel_loop3A_305[%add3A_5, %parallel_loop3A_295], %parallel_loop3A_300 : memref<64x129xf32, #tpu.memory_space<vmem>>[vector<16xi32>, vector<16xi32>], vector<16xf32>,
        %parallel_loop3A_306 = arith.constant 2 : i32
        %parallel_loop3A_307 = arith.index_cast %parallel_loop3A_306 : i32 to index
        %parallel_loop3A_308 = arith.index_cast %parallel_loop3A_290 : i32 to index
        %parallel_loop3A_309 = arith.constant 16 : index
        %parallel_loop3A_310 = tpu.vector_load %arg6[%parallel_loop3A_307, %parallel_loop3A_308, %parallel_loop3A_309] {strides = array<i32>} : memref<4x128x64xf32, #tpu.memory_space<vmem>>, vector<16xf32>,
        %parallel_loop3A_311 = arith.constant 0 : i32
        %parallel_loop3A_312 = arith.constant 0 : i32
        %parallel_loop3A_313 = arith.constant 0 : i32
        %parallel_loop3A_314 = tpu.memref_slice %arg7[%parallel_loop3A_311, %parallel_loop3A_312, %parallel_loop3A_313] : memref<2x64x129xf32, #tpu.memory_space<vmem>> -> memref<1x64x129xf32, #tpu.memory_space<vmem>>
        %parallel_loop3A_315 = tpu.memref_squeeze %parallel_loop3A_314 : memref<1x64x129xf32, #tpu.memory_space<vmem>> -> memref<64x129xf32, #tpu.memory_space<vmem>>
        tpu.vector_store_idx %parallel_loop3A_315[%add3A_8, %parallel_loop3A_295], %parallel_loop3A_310 : memref<64x129xf32, #tpu.memory_space<vmem>>[vector<16xi32>, vector<16xi32>], vector<16xf32>,
        %parallel_loop3A_316 = arith.constant 2 : i32
        %parallel_loop3A_317 = arith.index_cast %parallel_loop3A_316 : i32 to index
        %parallel_loop3A_318 = arith.index_cast %parallel_loop3A_290 : i32 to index
        %parallel_loop3A_319 = arith.constant 32 : index
        %parallel_loop3A_320 = tpu.vector_load %arg6[%parallel_loop3A_317, %parallel_loop3A_318, %parallel_loop3A_319] {strides = array<i32>} : memref<4x128x64xf32, #tpu.memory_space<vmem>>, vector<16xf32>,
        %parallel_loop3A_321 = arith.constant 0 : i32
        %parallel_loop3A_322 = arith.constant 0 : i32
        %parallel_loop3A_323 = arith.constant 0 : i32
        %parallel_loop3A_324 = tpu.memref_slice %arg7[%parallel_loop3A_321, %parallel_loop3A_322, %parallel_loop3A_323] : memref<2x64x129xf32, #tpu.memory_space<vmem>> -> memref<1x64x129xf32, #tpu.memory_space<vmem>>
        %parallel_loop3A_325 = tpu.memref_squeeze %parallel_loop3A_324 : memref<1x64x129xf32, #tpu.memory_space<vmem>> -> memref<64x129xf32, #tpu.memory_space<vmem>>
        tpu.vector_store_idx %parallel_loop3A_325[%add3A_11, %parallel_loop3A_295], %parallel_loop3A_320 : memref<64x129xf32, #tpu.memory_space<vmem>>[vector<16xi32>, vector<16xi32>], vector<16xf32>,
        %parallel_loop3A_326 = arith.constant 2 : i32
        %parallel_loop3A_327 = arith.index_cast %parallel_loop3A_326 : i32 to index
        %parallel_loop3A_328 = arith.index_cast %parallel_loop3A_290 : i32 to index
        %parallel_loop3A_329 = arith.constant 48 : index
        %parallel_loop3A_330 = tpu.vector_load %arg6[%parallel_loop3A_327, %parallel_loop3A_328, %parallel_loop3A_329] {strides = array<i32>} : memref<4x128x64xf32, #tpu.memory_space<vmem>>, vector<16xf32>,
        %parallel_loop3A_331 = arith.constant 0 : i32
        %parallel_loop3A_332 = arith.constant 0 : i32
        %parallel_loop3A_333 = arith.constant 0 : i32
        %parallel_loop3A_334 = tpu.memref_slice %arg7[%parallel_loop3A_331, %parallel_loop3A_332, %parallel_loop3A_333] : memref<2x64x129xf32, #tpu.memory_space<vmem>> -> memref<1x64x129xf32, #tpu.memory_space<vmem>>
        %parallel_loop3A_335 = tpu.memref_squeeze %parallel_loop3A_334 : memref<1x64x129xf32, #tpu.memory_space<vmem>> -> memref<64x129xf32, #tpu.memory_space<vmem>>
        tpu.vector_store_idx %parallel_loop3A_335[%add3A_14, %parallel_loop3A_295], %parallel_loop3A_330 : memref<64x129xf32, #tpu.memory_space<vmem>>[vector<16xi32>, vector<16xi32>], vector<16xf32>,
      } {sc.loop_unroll_factor = 8 : i64, sc.parallel_access}
      %dma_start3A_221 = arith.constant 0 : i32
      %dma_start3A_222 = arith.constant 0 : i32
      %dma_start3A_223 = arith.constant 0 : i32
      %dma_start3A_224 = tpu.memref_slice %arg7[%dma_start3A_221, %dma_start3A_222, %dma_start3A_223] : memref<2x64x129xf32, #tpu.memory_space<vmem>> -> memref<1x64x128xf32, #tpu.memory_space<vmem>>
      %dma_start3A_225 = tpu.memref_squeeze %dma_start3A_224 : memref<1x64x128xf32, #tpu.memory_space<vmem>> -> memref<64x128xf32, #tpu.memory_space<vmem>>
      %dma_start3A_226 = arith.constant 0 : i32
      %dma_start3A_227 = tpu.memref_slice %arg4[%scan3A_106, %dma_start3A_226, %add3A_201] : memref<50x64x16384xf32, #tpu.memory_space<hbm>> -> memref<1x64x128xf32, #tpu.memory_space<hbm>>
      %dma_start3A_228 = tpu.memref_squeeze %dma_start3A_227 : memref<1x64x128xf32, #tpu.memory_space<hbm>> -> memref<64x128xf32, #tpu.memory_space<hbm>>
      %dma_start3A_229 = arith.constant 0 : i32
      %dma_start3A_230 = tpu.memref_slice %arg4[%scan3A_106, %dma_start3A_229, %add3A_201] : memref<50x64x16384xf32, #tpu.memory_space<hbm>> -> memref<1x64x128xf32, #tpu.memory_space<hbm>>
      %dma_start3A_231 = tpu.memref_squeeze %dma_start3A_230 : memref<1x64x128xf32, #tpu.memory_space<hbm>> -> memref<64x128xf32, #tpu.memory_space<hbm>>
      %dma_start3A_232 = arith.constant 0 : i32
      %dma_start3A_233 = arith.constant 0 : i32
      %dma_start3A_234 = tpu.memref_slice %arg7[%dma_start3A_221, %dma_start3A_232, %dma_start3A_233] : memref<2x64x129xf32, #tpu.memory_space<vmem>> -> memref<1x64x128xf32, #tpu.memory_space<vmem>>
      %dma_start3A_235 = tpu.memref_squeeze %dma_start3A_234 : memref<1x64x128xf32, #tpu.memory_space<vmem>> -> memref<64x128xf32, #tpu.memory_space<vmem>>
      tpu.enqueue_dma source(%dma_start3A_235 : memref<64x128xf32, #tpu.memory_space<vmem>>) target(%dma_start3A_231 : memref<64x128xf32, #tpu.memory_space<hbm>>) target_semaphore(%arg12 : memref<!tpu.dma_semaphore, #tpu.memory_space<semaphore_mem>>)
      %add3A_236 = arith.constant 1 : i32
      %add3A_237 = arith.addi %scan3A_106, %add3A_236 : i32
      %lt3A_238 = arith.constant 50 : i32
      %lt3A_239 = arith.cmpi slt, %add3A_237, %lt3A_238 : i32
      %convert_element_type3A_240 = arith.extui %lt3A_239 : i1 to i32
      %cond3A_241 = arith.constant 0 : i32
      %cond3A_242 = arith.cmpi ne, %convert_element_type3A_240, %cond3A_241 : i32
      scf.if %cond3A_242 {
        %add3A_290 = arith.constant 4 : i32
        %add3A_291 = arith.addi %add3A_199, %add3A_290 : i32
        %mul3A_292 = arith.constant 128 : i32
        %mul3A_293 = arith.muli %add3A_291, %mul3A_292 : i32
        %dma_start3A_294 = arith.constant 2 : i32
        %dma_start3A_295 = arith.constant 0 : i32
        %dma_start3A_296 = arith.constant 0 : i32
        %dma_start3A_297 = tpu.memref_slice %arg6[%dma_start3A_294, %dma_start3A_295, %dma_start3A_296] : memref<4x128x64xf32, #tpu.memory_space<vmem>> -> memref<1x128x64xf32, #tpu.memory_space<vmem>>
        %dma_start3A_298 = tpu.memref_squeeze %dma_start3A_297 : memref<1x128x64xf32, #tpu.memory_space<vmem>> -> memref<128x64xf32, #tpu.memory_space<vmem>>
        %dma_start3A_299 = tpu.memref_slice %arg5[%mul3A_293] : memref<25600xi32, #tpu.memory_space<vmem>> -> memref<128xi32, #tpu.memory_space<vmem>>
        %dma_start3A_300 = arith.constant 0 : i32
        %dma_start3A_301 = arith.constant 0 : i32
        %dma_start3A_302 = tpu.memref_slice %arg3[%dma_start3A_300, %dma_start3A_301] : memref<1000000x64xf32, #tpu.memory_space<hbm>> -> memref<1000000x64xf32, #tpu.memory_space<hbm>>
        tpu.enqueue_indirect_dma source(%dma_start3A_302 : memref<1000000x64xf32, #tpu.memory_space<hbm>>) target(%dma_start3A_298 : memref<128x64xf32, #tpu.memory_space<vmem>>) offsets(%dma_start3A_299 : memref<128xi32, #tpu.memory_space<vmem>>) semaphore(%arg10 : memref<!tpu.dma_semaphore, #tpu.memory_space<semaphore_mem>>)
      } else {
      }
      %mul3A_243 = arith.constant 4 : i32
      %mul3A_244 = arith.muli %scan3A_106, %mul3A_243 : i32
      %add3A_245 = arith.constant 3 : i32
      %add3A_246 = arith.addi %mul3A_244, %add3A_245 : i32
      %add3A_247 = arith.constant 384 : i32
      %add3A_248 = arith.addi %mul3A_2, %add3A_247 : i32
      %mul3A_249 = arith.constant 128 : i32
      %mul3A_250 = arith.muli %add3A_246, %mul3A_249 : i32
      %dma_wait3A_251 = arith.constant 3 : i32
      %dma_wait3A_252 = arith.constant 0 : i32
      %dma_wait3A_253 = arith.constant 0 : i32
      %dma_wait3A_254 = tpu.memref_slice %arg6[%dma_wait3A_251, %dma_wait3A_252, %dma_wait3A_253] : memref<4x128x64xf32, #tpu.memory_space<vmem>> -> memref<1x128x64xf32, #tpu.memory_space<vmem>>
      %dma_wait3A_255 = tpu.memref_squeeze %dma_wait3A_254 : memref<1x128x64xf32, #tpu.memory_space<vmem>> -> memref<128x64xf32, #tpu.memory_space<vmem>>
      %dma_wait3A_256 = tpu.memref_slice %arg5[%mul3A_250] : memref<25600xi32, #tpu.memory_space<vmem>> -> memref<128xi32, #tpu.memory_space<vmem>>
      %dma_wait3A_257 = arith.constant 0 : i32
      %dma_wait3A_258 = arith.constant 0 : i32
      %dma_wait3A_259 = tpu.memref_slice %arg3[%dma_wait3A_257, %dma_wait3A_258] : memref<1000000x64xf32, #tpu.memory_space<hbm>> -> memref<1000000x64xf32, #tpu.memory_space<hbm>>
      tpu.wait_indirect_dma semaphore(%arg11 : memref<!tpu.dma_semaphore, #tpu.memory_space<semaphore_mem>>) src(%dma_wait3A_259 : memref<1000000x64xf32, #tpu.memory_space<hbm>>) dst(%dma_wait3A_255 : memref<128x64xf32, #tpu.memory_space<vmem>>)
      %ge3A_260 = arith.constant 2 : i32
      %ge3A_261 = arith.cmpi sge, %add3A_246, %ge3A_260 : i32
      %convert_element_type3A_262 = arith.extui %ge3A_261 : i1 to i32
      %cond3A_263 = arith.constant 0 : i32
      %cond3A_264 = arith.cmpi ne, %convert_element_type3A_262, %cond3A_263 : i32
      scf.if %cond3A_264 {
        %sub3A = arith.constant 2 : i32
        %sub3A_290 = arith.subi %add3A_246, %sub3A : i32
        %jit3A = arith.constant 4 : i32
        %div3A = arith.divsi %sub3A_290, %jit3A : i32
        %sign3A = arith.constant 0 : i32
        %sign3A_291 = arith.cmpi sgt, %sub3A_290, %sign3A : i32
        %sign3A_292 = arith.extui %sign3A_291 : i1 to i32
        %sign3A_293 = arith.constant 0 : i32
        %sign3A_294 = arith.cmpi slt, %sub3A_290, %sign3A_293 : i32
        %sign3A_295 = arith.extui %sign3A_294 : i1 to i32
        %sign3A_296 = arith.subi %sign3A_292, %sign3A_295 : i32
        %sign3A_297 = arith.constant 0 : i32
        %sign3A_298 = arith.cmpi sgt, %jit3A, %sign3A_297 : i32
        %sign3A_299 = arith.extui %sign3A_298 : i1 to i32
        %sign3A_300 = arith.constant 0 : i32
        %sign3A_301 = arith.cmpi slt, %jit3A, %sign3A_300 : i32
        %sign3A_302 = arith.extui %sign3A_301 : i1 to i32
        %sign3A_303 = arith.subi %sign3A_299, %sign3A_302 : i32
        %ne3A = arith.cmpi ne, %sign3A_296, %sign3A_303 : i32
        %rem3A = arith.remsi %sub3A_290, %jit3A : i32
        %ne3A_304 = arith.constant 0 : i32
        %ne3A_305 = arith.cmpi ne, %rem3A, %ne3A_304 : i32
        %and3A = arith.andi %ne3A, %ne3A_305 : i1
        %sub3A_306 = arith.constant 1 : i32
        %sub3A_307 = arith.subi %div3A, %sub3A_306 : i32
        %select_n3A = arith.select %and3A, %sub3A_307, %div3A : i32
        %jit3A_308 = arith.constant 4 : i32
        %eq3A = arith.constant 0 : i32
        %eq3A_309 = arith.cmpi eq, %jit3A_308, %eq3A : i32
        %jit3A_310 = arith.constant 1 : i32
        %select_n3A_311 = arith.select %eq3A_309, %jit3A_310, %jit3A_308 : i32
        %rem3A_312 = arith.remsi %sub3A_290, %select_n3A_311 : i32
        %ne3A_313 = arith.constant 0 : i32
        %ne3A_314 = arith.cmpi ne, %rem3A_312, %ne3A_313 : i32
        %lt3A_315 = arith.constant 0 : i32
        %lt3A_316 = arith.cmpi slt, %rem3A_312, %lt3A_315 : i32
        %lt3A_317 = arith.constant 0 : i32
        %lt3A_318 = arith.cmpi slt, %select_n3A_311, %lt3A_317 : i32
        %ne3A_319 = arith.xori %lt3A_316, %lt3A_318 : i1
        %and3A_320 = arith.andi %ne3A_319, %ne3A_314 : i1
        %add3A_321 = arith.addi %rem3A_312, %select_n3A_311 : i32
        %select_n3A_322 = arith.select %and3A_320, %add3A_321, %rem3A_312 : i32
        %mul3A_323 = arith.constant 128 : i32
        %mul3A_324 = arith.muli %select_n3A_322, %mul3A_323 : i32
        %add3A_325 = arith.addi %mul3A_2, %mul3A_324 : i32
        %dma_wait3A_326 = arith.constant 1 : i32
        %dma_wait3A_327 = arith.constant 0 : i32
        %dma_wait3A_328 = arith.constant 0 : i32
        %dma_wait3A_329 = tpu.memref_slice %arg7[%dma_wait3A_326, %dma_wait3A_327, %dma_wait3A_328] : memref<2x64x129xf32, #tpu.memory_space<vmem>> -> memref<1x64x128xf32, #tpu.memory_space<vmem>>
        %dma_wait3A_330 = tpu.memref_squeeze %dma_wait3A_329 : memref<1x64x128xf32, #tpu.memory_space<vmem>> -> memref<64x128xf32, #tpu.memory_space<vmem>>
        %dma_wait3A_331 = arith.constant 0 : i32
        %dma_wait3A_332 = tpu.memref_slice %arg4[%select_n3A, %dma_wait3A_331, %add3A_325] : memref<50x64x16384xf32, #tpu.memory_space<hbm>> -> memref<1x64x128xf32, #tpu.memory_space<hbm>>
        %dma_wait3A_333 = tpu.memref_squeeze %dma_wait3A_332 : memref<1x64x128xf32, #tpu.memory_space<hbm>> -> memref<64x128xf32, #tpu.memory_space<hbm>>
        %dma_wait3A_334 = arith.constant 0 : i32
        %dma_wait3A_335 = tpu.memref_slice %arg4[%select_n3A, %dma_wait3A_334, %add3A_325] : memref<50x64x16384xf32, #tpu.memory_space<hbm>> -> memref<1x64x128xf32, #tpu.memory_space<hbm>>
        %dma_wait3A_336 = tpu.memref_squeeze %dma_wait3A_335 : memref<1x64x128xf32, #tpu.memory_space<hbm>> -> memref<64x128xf32, #tpu.memory_space<hbm>>
        %dma_wait3A_337 = arith.constant 0 : i32
        %dma_wait3A_338 = arith.constant 0 : i32
        %dma_wait3A_339 = tpu.memref_slice %arg7[%dma_wait3A_326, %dma_wait3A_337, %dma_wait3A_338] : memref<2x64x129xf32, #tpu.memory_space<vmem>> -> memref<1x64x128xf32, #tpu.memory_space<vmem>>
        %dma_wait3A_340 = tpu.memref_squeeze %dma_wait3A_339 : memref<1x64x128xf32, #tpu.memory_space<vmem>> -> memref<64x128xf32, #tpu.memory_space<vmem>>
        tpu.wait_dma2 semaphore(%arg13 : memref<!tpu.dma_semaphore, #tpu.memory_space<semaphore_mem>>) src(%dma_wait3A_340 : memref<64x128xf32, #tpu.memory_space<vmem>>) dst(%dma_wait3A_336 : memref<64x128xf32, #tpu.memory_space<hbm>>)
      } else {
      }
      %parallel_loop3A_265 = arith.constant 0 : i32
      %parallel_loop3A_266 = arith.constant 128 : i32
      %parallel_loop3A_267 = arith.constant 1 : i32
      scf.for %parallel_loop3A_290 = %parallel_loop3A_265 to %parallel_loop3A_266 step %parallel_loop3A_267  : i32 {
        %parallel_loop3A_291 = arith.constant 0 : i32
        %parallel_loop3A_292 = vector.broadcast %parallel_loop3A_291 : i32 to vector<16xi32>
        %parallel_loop3A_293 = arith.muli %iota3A, %parallel_loop3A_292 : vector<16xi32>
        %parallel_loop3A_294 = vector.broadcast %parallel_loop3A_290 : i32 to vector<16xi32>
        %parallel_loop3A_295 = arith.addi %parallel_loop3A_293, %parallel_loop3A_294 : vector<16xi32>
        %parallel_loop3A_296 = arith.constant 3 : i32
        %parallel_loop3A_297 = arith.index_cast %parallel_loop3A_296 : i32 to index
        %parallel_loop3A_298 = arith.index_cast %parallel_loop3A_290 : i32 to index
        %parallel_loop3A_299 = arith.constant 0 : index
        %parallel_loop3A_300 = tpu.vector_load %arg6[%parallel_loop3A_297, %parallel_loop3A_298, %parallel_loop3A_299] {strides = array<i32>} : memref<4x128x64xf32, #tpu.memory_space<vmem>>, vector<16xf32>,
        %parallel_loop3A_301 = arith.constant 1 : i32
        %parallel_loop3A_302 = arith.constant 0 : i32
        %parallel_loop3A_303 = arith.constant 0 : i32
        %parallel_loop3A_304 = tpu.memref_slice %arg7[%parallel_loop3A_301, %parallel_loop3A_302, %parallel_loop3A_303] : memref<2x64x129xf32, #tpu.memory_space<vmem>> -> memref<1x64x129xf32, #tpu.memory_space<vmem>>
        %parallel_loop3A_305 = tpu.memref_squeeze %parallel_loop3A_304 : memref<1x64x129xf32, #tpu.memory_space<vmem>> -> memref<64x129xf32, #tpu.memory_space<vmem>>
        tpu.vector_store_idx %parallel_loop3A_305[%add3A_5, %parallel_loop3A_295], %parallel_loop3A_300 : memref<64x129xf32, #tpu.memory_space<vmem>>[vector<16xi32>, vector<16xi32>], vector<16xf32>,
        %parallel_loop3A_306 = arith.constant 3 : i32
        %parallel_loop3A_307 = arith.index_cast %parallel_loop3A_306 : i32 to index
        %parallel_loop3A_308 = arith.index_cast %parallel_loop3A_290 : i32 to index
        %parallel_loop3A_309 = arith.constant 16 : index
        %parallel_loop3A_310 = tpu.vector_load %arg6[%parallel_loop3A_307, %parallel_loop3A_308, %parallel_loop3A_309] {strides = array<i32>} : memref<4x128x64xf32, #tpu.memory_space<vmem>>, vector<16xf32>,
        %parallel_loop3A_311 = arith.constant 1 : i32
        %parallel_loop3A_312 = arith.constant 0 : i32
        %parallel_loop3A_313 = arith.constant 0 : i32
        %parallel_loop3A_314 = tpu.memref_slice %arg7[%parallel_loop3A_311, %parallel_loop3A_312, %parallel_loop3A_313] : memref<2x64x129xf32, #tpu.memory_space<vmem>> -> memref<1x64x129xf32, #tpu.memory_space<vmem>>
        %parallel_loop3A_315 = tpu.memref_squeeze %parallel_loop3A_314 : memref<1x64x129xf32, #tpu.memory_space<vmem>> -> memref<64x129xf32, #tpu.memory_space<vmem>>
        tpu.vector_store_idx %parallel_loop3A_315[%add3A_8, %parallel_loop3A_295], %parallel_loop3A_310 : memref<64x129xf32, #tpu.memory_space<vmem>>[vector<16xi32>, vector<16xi32>], vector<16xf32>,
        %parallel_loop3A_316 = arith.constant 3 : i32
        %parallel_loop3A_317 = arith.index_cast %parallel_loop3A_316 : i32 to index
        %parallel_loop3A_318 = arith.index_cast %parallel_loop3A_290 : i32 to index
        %parallel_loop3A_319 = arith.constant 32 : index
        %parallel_loop3A_320 = tpu.vector_load %arg6[%parallel_loop3A_317, %parallel_loop3A_318, %parallel_loop3A_319] {strides = array<i32>} : memref<4x128x64xf32, #tpu.memory_space<vmem>>, vector<16xf32>,
        %parallel_loop3A_321 = arith.constant 1 : i32
        %parallel_loop3A_322 = arith.constant 0 : i32
        %parallel_loop3A_323 = arith.constant 0 : i32
        %parallel_loop3A_324 = tpu.memref_slice %arg7[%parallel_loop3A_321, %parallel_loop3A_322, %parallel_loop3A_323] : memref<2x64x129xf32, #tpu.memory_space<vmem>> -> memref<1x64x129xf32, #tpu.memory_space<vmem>>
        %parallel_loop3A_325 = tpu.memref_squeeze %parallel_loop3A_324 : memref<1x64x129xf32, #tpu.memory_space<vmem>> -> memref<64x129xf32, #tpu.memory_space<vmem>>
        tpu.vector_store_idx %parallel_loop3A_325[%add3A_11, %parallel_loop3A_295], %parallel_loop3A_320 : memref<64x129xf32, #tpu.memory_space<vmem>>[vector<16xi32>, vector<16xi32>], vector<16xf32>,
        %parallel_loop3A_326 = arith.constant 3 : i32
        %parallel_loop3A_327 = arith.index_cast %parallel_loop3A_326 : i32 to index
        %parallel_loop3A_328 = arith.index_cast %parallel_loop3A_290 : i32 to index
        %parallel_loop3A_329 = arith.constant 48 : index
        %parallel_loop3A_330 = tpu.vector_load %arg6[%parallel_loop3A_327, %parallel_loop3A_328, %parallel_loop3A_329] {strides = array<i32>} : memref<4x128x64xf32, #tpu.memory_space<vmem>>, vector<16xf32>,
        %parallel_loop3A_331 = arith.constant 1 : i32
        %parallel_loop3A_332 = arith.constant 0 : i32
        %parallel_loop3A_333 = arith.constant 0 : i32
        %parallel_loop3A_334 = tpu.memref_slice %arg7[%parallel_loop3A_331, %parallel_loop3A_332, %parallel_loop3A_333] : memref<2x64x129xf32, #tpu.memory_space<vmem>> -> memref<1x64x129xf32, #tpu.memory_space<vmem>>
        %parallel_loop3A_335 = tpu.memref_squeeze %parallel_loop3A_334 : memref<1x64x129xf32, #tpu.memory_space<vmem>> -> memref<64x129xf32, #tpu.memory_space<vmem>>
        tpu.vector_store_idx %parallel_loop3A_335[%add3A_14, %parallel_loop3A_295], %parallel_loop3A_330 : memref<64x129xf32, #tpu.memory_space<vmem>>[vector<16xi32>, vector<16xi32>], vector<16xf32>,
      } {sc.loop_unroll_factor = 8 : i64, sc.parallel_access}
      %dma_start3A_268 = arith.constant 1 : i32
      %dma_start3A_269 = arith.constant 0 : i32
      %dma_start3A_270 = arith.constant 0 : i32
      %dma_start3A_271 = tpu.memref_slice %arg7[%dma_start3A_268, %dma_start3A_269, %dma_start3A_270] : memref<2x64x129xf32, #tpu.memory_space<vmem>> -> memref<1x64x128xf32, #tpu.memory_space<vmem>>
      %dma_start3A_272 = tpu.memref_squeeze %dma_start3A_271 : memref<1x64x128xf32, #tpu.memory_space<vmem>> -> memref<64x128xf32, #tpu.memory_space<vmem>>
      %dma_start3A_273 = arith.constant 0 : i32
      %dma_start3A_274 = tpu.memref_slice %arg4[%scan3A_106, %dma_start3A_273, %add3A_248] : memref<50x64x16384xf32, #tpu.memory_space<hbm>> -> memref<1x64x128xf32, #tpu.memory_space<hbm>>
      %dma_start3A_275 = tpu.memref_squeeze %dma_start3A_274 : memref<1x64x128xf32, #tpu.memory_space<hbm>> -> memref<64x128xf32, #tpu.memory_space<hbm>>
      %dma_start3A_276 = arith.constant 0 : i32
      %dma_start3A_277 = tpu.memref_slice %arg4[%scan3A_106, %dma_start3A_276, %add3A_248] : memref<50x64x16384xf32, #tpu.memory_space<hbm>> -> memref<1x64x128xf32, #tpu.memory_space<hbm>>
      %dma_start3A_278 = tpu.memref_squeeze %dma_start3A_277 : memref<1x64x128xf32, #tpu.memory_space<hbm>> -> memref<64x128xf32, #tpu.memory_space<hbm>>
      %dma_start3A_279 = arith.constant 0 : i32
      %dma_start3A_280 = arith.constant 0 : i32
      %dma_start3A_281 = tpu.memref_slice %arg7[%dma_start3A_268, %dma_start3A_279, %dma_start3A_280] : memref<2x64x129xf32, #tpu.memory_space<vmem>> -> memref<1x64x128xf32, #tpu.memory_space<vmem>>
      %dma_start3A_282 = tpu.memref_squeeze %dma_start3A_281 : memref<1x64x128xf32, #tpu.memory_space<vmem>> -> memref<64x128xf32, #tpu.memory_space<vmem>>
      tpu.enqueue_dma source(%dma_start3A_282 : memref<64x128xf32, #tpu.memory_space<vmem>>) target(%dma_start3A_278 : memref<64x128xf32, #tpu.memory_space<hbm>>) target_semaphore(%arg13 : memref<!tpu.dma_semaphore, #tpu.memory_space<semaphore_mem>>)
      %add3A_283 = arith.constant 1 : i32
      %add3A_284 = arith.addi %scan3A_106, %add3A_283 : i32
      %lt3A_285 = arith.constant 50 : i32
      %lt3A_286 = arith.cmpi slt, %add3A_284, %lt3A_285 : i32
      %convert_element_type3A_287 = arith.extui %lt3A_286 : i1 to i32
      %cond3A_288 = arith.constant 0 : i32
      %cond3A_289 = arith.cmpi ne, %convert_element_type3A_287, %cond3A_288 : i32
      scf.if %cond3A_289 {
        %add3A_290 = arith.constant 4 : i32
        %add3A_291 = arith.addi %add3A_246, %add3A_290 : i32
        %mul3A_292 = arith.constant 128 : i32
        %mul3A_293 = arith.muli %add3A_291, %mul3A_292 : i32
        %dma_start3A_294 = arith.constant 3 : i32
        %dma_start3A_295 = arith.constant 0 : i32
        %dma_start3A_296 = arith.constant 0 : i32
        %dma_start3A_297 = tpu.memref_slice %arg6[%dma_start3A_294, %dma_start3A_295, %dma_start3A_296] : memref<4x128x64xf32, #tpu.memory_space<vmem>> -> memref<1x128x64xf32, #tpu.memory_space<vmem>>
        %dma_start3A_298 = tpu.memref_squeeze %dma_start3A_297 : memref<1x128x64xf32, #tpu.memory_space<vmem>> -> memref<128x64xf32, #tpu.memory_space<vmem>>
        %dma_start3A_299 = tpu.memref_slice %arg5[%mul3A_293] : memref<25600xi32, #tpu.memory_space<vmem>> -> memref<128xi32, #tpu.memory_space<vmem>>
        %dma_start3A_300 = arith.constant 0 : i32
        %dma_start3A_301 = arith.constant 0 : i32
        %dma_start3A_302 = tpu.memref_slice %arg3[%dma_start3A_300, %dma_start3A_301] : memref<1000000x64xf32, #tpu.memory_space<hbm>> -> memref<1000000x64xf32, #tpu.memory_space<hbm>>
        tpu.enqueue_indirect_dma source(%dma_start3A_302 : memref<1000000x64xf32, #tpu.memory_space<hbm>>) target(%dma_start3A_298 : memref<128x64xf32, #tpu.memory_space<vmem>>) offsets(%dma_start3A_299 : memref<128xi32, #tpu.memory_space<vmem>>) semaphore(%arg11 : memref<!tpu.dma_semaphore, #tpu.memory_space<semaphore_mem>>)
      } else {
      }
    }
    %scan3A_70 = arith.constant 50 : i32
    %add3A_71 = arith.constant 256 : i32
    %add3A_72 = arith.addi %mul3A_2, %add3A_71 : i32
    %dma_wait3A = arith.constant 0 : i32
    %dma_wait3A_73 = arith.constant 49 : i32
    %dma_wait3A_74 = arith.constant 0 : i32
    %dma_wait3A_75 = arith.constant 0 : i32
    %dma_wait3A_76 = tpu.memref_slice %arg7[%dma_wait3A, %dma_wait3A_74, %dma_wait3A_75] : memref<2x64x129xf32, #tpu.memory_space<vmem>> -> memref<1x64x128xf32, #tpu.memory_space<vmem>>
    %dma_wait3A_77 = tpu.memref_squeeze %dma_wait3A_76 : memref<1x64x128xf32, #tpu.memory_space<vmem>> -> memref<64x128xf32, #tpu.memory_space<vmem>>
    %dma_wait3A_78 = arith.constant 0 : i32
    %dma_wait3A_79 = tpu.memref_slice %arg4[%dma_wait3A_73, %dma_wait3A_78, %add3A_72] : memref<50x64x16384xf32, #tpu.memory_space<hbm>> -> memref<1x64x128xf32, #tpu.memory_space<hbm>>
    %dma_wait3A_80 = tpu.memref_squeeze %dma_wait3A_79 : memref<1x64x128xf32, #tpu.memory_space<hbm>> -> memref<64x128xf32, #tpu.memory_space<hbm>>
    %dma_wait3A_81 = arith.constant 0 : i32
    %dma_wait3A_82 = tpu.memref_slice %arg4[%dma_wait3A_73, %dma_wait3A_81, %add3A_72] : memref<50x64x16384xf32, #tpu.memory_space<hbm>> -> memref<1x64x128xf32, #tpu.memory_space<hbm>>
    %dma_wait3A_83 = tpu.memref_squeeze %dma_wait3A_82 : memref<1x64x128xf32, #tpu.memory_space<hbm>> -> memref<64x128xf32, #tpu.memory_space<hbm>>
    %dma_wait3A_84 = arith.constant 0 : i32
    %dma_wait3A_85 = arith.constant 0 : i32
    %dma_wait3A_86 = tpu.memref_slice %arg7[%dma_wait3A, %dma_wait3A_84, %dma_wait3A_85] : memref<2x64x129xf32, #tpu.memory_space<vmem>> -> memref<1x64x128xf32, #tpu.memory_space<vmem>>
    %dma_wait3A_87 = tpu.memref_squeeze %dma_wait3A_86 : memref<1x64x128xf32, #tpu.memory_space<vmem>> -> memref<64x128xf32, #tpu.memory_space<vmem>>
    tpu.wait_dma2 semaphore(%arg12 : memref<!tpu.dma_semaphore, #tpu.memory_space<semaphore_mem>>) src(%dma_wait3A_87 : memref<64x128xf32, #tpu.memory_space<vmem>>) dst(%dma_wait3A_83 : memref<64x128xf32, #tpu.memory_space<hbm>>)
    %add3A_88 = arith.constant 384 : i32
    %add3A_89 = arith.addi %mul3A_2, %add3A_88 : i32
    %dma_wait3A_90 = arith.constant 1 : i32
    %dma_wait3A_91 = arith.constant 49 : i32
    %dma_wait3A_92 = arith.constant 0 : i32
    %dma_wait3A_93 = arith.constant 0 : i32
    %dma_wait3A_94 = tpu.memref_slice %arg7[%dma_wait3A_90, %dma_wait3A_92, %dma_wait3A_93] : memref<2x64x129xf32, #tpu.memory_space<vmem>> -> memref<1x64x128xf32, #tpu.memory_space<vmem>>
    %dma_wait3A_95 = tpu.memref_squeeze %dma_wait3A_94 : memref<1x64x128xf32, #tpu.memory_space<vmem>> -> memref<64x128xf32, #tpu.memory_space<vmem>>
    %dma_wait3A_96 = arith.constant 0 : i32
    %dma_wait3A_97 = tpu.memref_slice %arg4[%dma_wait3A_91, %dma_wait3A_96, %add3A_89] : memref<50x64x16384xf32, #tpu.memory_space<hbm>> -> memref<1x64x128xf32, #tpu.memory_space<hbm>>
    %dma_wait3A_98 = tpu.memref_squeeze %dma_wait3A_97 : memref<1x64x128xf32, #tpu.memory_space<hbm>> -> memref<64x128xf32, #tpu.memory_space<hbm>>
    %dma_wait3A_99 = arith.constant 0 : i32
    %dma_wait3A_100 = tpu.memref_slice %arg4[%dma_wait3A_91, %dma_wait3A_99, %add3A_89] : memref<50x64x16384xf32, #tpu.memory_space<hbm>> -> memref<1x64x128xf32, #tpu.memory_space<hbm>>
    %dma_wait3A_101 = tpu.memref_squeeze %dma_wait3A_100 : memref<1x64x128xf32, #tpu.memory_space<hbm>> -> memref<64x128xf32, #tpu.memory_space<hbm>>
    %dma_wait3A_102 = arith.constant 0 : i32
    %dma_wait3A_103 = arith.constant 0 : i32
    %dma_wait3A_104 = tpu.memref_slice %arg7[%dma_wait3A_90, %dma_wait3A_102, %dma_wait3A_103] : memref<2x64x129xf32, #tpu.memory_space<vmem>> -> memref<1x64x128xf32, #tpu.memory_space<vmem>>
    %dma_wait3A_105 = tpu.memref_squeeze %dma_wait3A_104 : memref<1x64x128xf32, #tpu.memory_space<vmem>> -> memref<64x128xf32, #tpu.memory_space<vmem>>
    tpu.wait_dma2 semaphore(%arg13 : memref<!tpu.dma_semaphore, #tpu.memory_space<semaphore_mem>>) src(%dma_wait3A_105 : memref<64x128xf32, #tpu.memory_space<vmem>>) dst(%dma_wait3A_101 : memref<64x128xf32, #tpu.memory_space<hbm>>)
    return
  }
}

</mosaic_0001>

<sc_bundles>
// kernel: kernel.3.cloned.1.call-start
scs
__scs_entry_jumppad:
0x0: {  	(pc) =	sbr.rel $0x88, $3  }
0x1: {  	(tag) =	ssettag $0x0;
	lr =	simm.s32 $0x1  }
0x2: {  	[smem:$0x3F9F] =	sst lr;
	_ =	strace $0xD0000000  }
0x3: {  	_ = 	snop  }
0x4: {  	_ = 	snop  }
0x5: {  	_ = 	snop  }
0x6: {  	_ = 	snop  }
0x7: {  	_ = 	snop  }
__scs_overlays_trampoline_lowered:
0x8: {  	[smem:$0x3FAE] =	sst s0  }
0x9: {  	[smem:$0x3FAF] =	sst s1  }
0xa: {  	[smem:$0x3FB0] =	sst s2  }
0xb: {  	[smem:$0x3FB1] =	sst s3  }
0xc: {  	[smem:$0x3FB2] =	sst s4  }
0xd: {  	[smem:$0x3FB3] =	sst s5  }
0xe: {  	[smem:$0x3FB4] =	sst s6  }
0xf: {  	[smem:$0x3FB5] =	sst s7  }
0x10: {  	[smem:$0x3FB6] =	sst s8  }
0x11: {  	[smem:$0x3FB7] =	sst s9;
	s0 =	simm.s32 @!p0 $0x0  }
0x12: {  	s1 =	sld [smem:$0x3F9D];
	s0 =	simm.s32 @p0 $0x1  }
0x13: {  	[smem:$0x3FB8] =	sst s0;
	s0 =	simm.s32 @!p1 $0x0  }
0x14: {  	s2 =	sld [smem:$0x3F9C];
	s0 =	simm.s32 @p1 $0x1  }
0x15: {  	[smem:$0x3FB9] =	sst s0;
	s0 =	simm.s32 @!p2 $0x0  }
0x16: {  	s3 =	sld [smem:$0x3FDB];
	s0 =	simm.s32 @p2 $0x1  }
0x17: {  	s4 =	simm.s32 $0x1BF5;
	[smem:$0x3FBB] =	sst s0  }
0x18: {  	s0 =	sld [smem:$0x3F9E];
	_ =	swait.ge [sflag:s4], $0x0  }
0x19: {  	s7 =	sld [smem:$0x3F9F]  }
0x1a: {  	s8 =	sadd.s32 $0xFFFFE003, lr  }
0x1b: {  	s9 =	sadd.s32 $0xFFFFFEF7, lr;
	s5 =	simm.s32 $0xFFFFFFFF;
	p2 =	slt.u32 s8, $0xFFFFF086  }
0x1c: {  	p1 =	slt.u32 s9, $0xF7A;
	s5 =	simm.s32 @!p2 $0x0  }
0x1d: {  	s5 =	simm.s32 @p1 $0x1;
	p0 =	seq.s32 s7, s2  }
0x1e: {  	s7 =	smul.u32 @!p0 $0xF7A, s2;
	p2 =	seq.s32 @!p0 s5, $0x0  }
0x1f: {  	s9 =	smul.u32 $0xF7A, s1;
	s8 =	simm.s32 @!p0 $0x1BF5;
	p2 =	por !p2, p0  }
0x20: {  	[sflag:s8] =	ssyncset.s32 @!p0 $0xFFFFF086;
	s6 =	sadd.s32 @!p0 s3, s7;
	s7 =	simm.s32 @!p0 $0x108  }
0x21: {  	s3 =	sadd.s32 s3, s9;
	s6 =	sadd.s32 @!p0 $0x88, s6;
	s7 =	simm.s32 @p2 $0x1082  }
0x22: {  	[simem:s7], [sflag:s8] =	dma.local @!p0 [hbm:s6], $0xF7A  }
0x23: {  	s9 =	sor.u32 $0xD0000000, s2;
	s6 =	simm.s32 $0x108;
	_ =	swait.ge @!p0 [sflag:s8], $0x0  }
0x24: {  	s3 =	sadd.s32 $0x88, s3;
	s6 =	simm.s32 @!p1 $0x1082;
	[sflag:s4] =	ssyncset.s32 $0xFFFFF086  }
0x25: {  	[simem:s6], [sflag:s4] =	dma.local [hbm:s3], $0xF7A  }
0x26: {  	[smem:$0x3F9F] =	sst s1;
	(tag) =	ssettag s2;
	_ =	strace s9  }
0x27: {  	s1 =	sld [smem:$0x3FAF]  }
0x28: {  	s2 =	sld [smem:$0x3FB0]  }
0x29: {  	s4 =	sld [smem:$0x3FB2]  }
0x2a: {  	p0 =	seq.s32 s5, $0x0;
	s5 =	sld [smem:$0x3FB3]  }
0x2b: {  	s6 =	sld [smem:$0x3FB4]  }
0x2c: {  	s7 =	sld [smem:$0x3FB5]  }
0x2d: {  	s3 =	simm.s32 $0x108;
	s8 =	sld [smem:$0x3FB6]  }
0x2e: {  	s3 =	simm.s32 @!p0 $0x1082;
	s9 =	sld [smem:$0x3FB7]  }
0x2f: {  	lr =	sadd.s32 s0, s3;
	s0 =	sld [smem:$0x3FAE]  }
0x30: {  	s3 =	sld [smem:$0x3FB1]  }
0x31: {  	[smem:$0x3FBA] =	sst s10  }
0x32: {  	s10 =	sld [smem:$0x3FB8];
	_ =	sdelay $0x3  }
0x33: {  	p0 =	seq.s32 s10, $0x1;
	s10 =	sld [smem:$0x3FBA];
	_ =	sdelay $0x3  }
0x34: {  	[smem:$0x3FBA] =	sst s10  }
0x35: {  	s10 =	sld [smem:$0x3FB9];
	_ =	sdelay $0x3  }
0x36: {  	p1 =	seq.s32 s10, $0x1;
	s10 =	sld [smem:$0x3FBA];
	_ =	sdelay $0x3  }
0x37: {  	[smem:$0x3FBA] =	sst s10  }
0x38: {  	s10 =	sld [smem:$0x3FBB]  }
0x39: {  	_ = 	snop;
	(pc) =	sbr.ind lr, $3  }
0x3a: {  	_ = 	snop  }
0x3b: {  	_ = 	snop  }
0x3c: {  	p2 =	seq.s32 s10, $0x1;
	s10 =	sld [smem:$0x3FBA]  }
0x3d: {  	_ =	shalt  }
0x3e: {  	_ =	shalt  }
0x3f: {  	_ =	shalt  }
0x40: {  	_ =	shalt  }
0x41: {  	_ =	shalt  }
0x42: {  	_ =	shalt  }
0x43: {  	_ =	shalt  }
0x44: {  	_ =	shalt  }
0x45: {  	_ =	shalt  }
0x46: {  	_ =	shalt  }
0x47: {  	_ =	shalt  }
0x48: {  	_ =	shalt  }
0x49: {  	_ =	shalt  }
0x4a: {  	_ =	shalt  }
0x4b: {  	_ =	shalt  }
0x4c: {  	_ =	shalt  }
0x4d: {  	_ =	shalt  }
0x4e: {  	_ =	shalt  }
0x4f: {  	_ =	shalt  }
0x50: {  	_ =	shalt  }
0x51: {  	_ =	shalt  }
0x52: {  	_ =	shalt  }
0x53: {  	_ =	shalt  }
0x54: {  	_ =	shalt  }
0x55: {  	_ =	shalt  }
0x56: {  	_ =	shalt  }
0x57: {  	_ =	shalt  }
0x58: {  	_ =	shalt  }
0x59: {  	_ =	shalt  }
0x5a: {  	_ =	shalt  }
0x5b: {  	_ =	shalt  }
0x5c: {  	_ =	shalt  }
0x5d: {  	_ =	shalt  }
0x5e: {  	_ =	shalt  }
0x5f: {  	_ =	shalt  }
0x60: {  	_ =	shalt  }
0x61: {  	_ =	shalt  }
0x62: {  	_ =	shalt  }
0x63: {  	_ =	shalt  }
0x64: {  	_ =	shalt  }
0x65: {  	_ =	shalt  }
0x66: {  	_ =	shalt  }
0x67: {  	_ =	shalt  }
0x68: {  	_ =	shalt  }
0x69: {  	_ =	shalt  }
0x6a: {  	_ =	shalt  }
0x6b: {  	_ =	shalt  }
0x6c: {  	_ =	shalt  }
0x6d: {  	_ =	shalt  }
0x6e: {  	_ =	shalt  }
0x6f: {  	_ =	shalt  }
0x70: {  	_ =	shalt  }
0x71: {  	_ =	shalt  }
0x72: {  	_ =	shalt  }
0x73: {  	_ =	shalt  }
0x74: {  	_ =	shalt  }
0x75: {  	_ =	shalt  }
0x76: {  	_ =	shalt  }
0x77: {  	_ =	shalt  }
0x78: {  	_ =	shalt  }
0x79: {  	_ =	shalt  }
0x7a: {  	_ =	shalt  }
0x7b: {  	_ =	shalt  }
0x7c: {  	_ =	shalt  }
0x7d: {  	_ =	shalt  }
0x7e: {  	_ =	shalt  }
0x7f: {  	_ =	shalt  }
0x80: {  	_ =	shalt  }
0x81: {  	_ =	shalt  }
0x82: {  	_ =	shalt  }
0x83: {  	_ =	shalt  }
0x84: {  	_ =	shalt  }
0x85: {  	_ =	shalt  }
0x86: {  	_ =	shalt  }
0x87: {  	_ =	shalt  }
.Lfunc_end0:
.L_simem_size_0:
called_computation_lowered:
.L_overlay_start_0:
0x88: {  	s2 =	sld [smem:$0x3FD9]  }
0x89: {  	s3 =	sld [smem:$0x3FFE];
	_ =	sdelay $0x1  }
0x8a: {  	s1 =	srdreg.scid  }
0x8b: {  	s0 =	sand.u32 $0x1, s1  }
0x8c: {  	s17 =	sshll.u32 s0, $0xA;
	s2 =	sadd.s32 s3, s2  }
0x8d: {  	s2 =	sadd.s32 s2, s17  }
0x8e: {  	[smem:$0x3FC6] =	sst s2  }
0x8f: {  	_ = 	snop  }
0x90: {  	s2 =	sld [smem:$0x3FD0];
	(tm) =	ssettm $0x1  }
0x91: {  	s18 =	sld [smem:$0x3FFB];
	_ =	sdelay $0x3  }
0x92: {  	_ =	strace s18  }
0x93: {  	s3 =	sld [smem:$0x3FFC];
	_ =	sdelay $0x3  }
0x94: {  	_ =	strace s3  }
0x95: {  	s3 =	sld [smem:$0x3FFD];
	_ =	sdelay $0x3  }
0x96: {  	_ =	strace s3  }
0x97: {  	_ =	strace $0x8FFFFFFF  }
0x98: {  	s19 =	sld [smem:$0x3FDB];
	_ =	sdelay $0x1  }
0x99: {  	s4 =	simm.s32 $_scs_section_size  }
0x9a: {  	s5 =	simm.s32 $_size__tile_overlayer_lowered;
	s6 =	simm.s32 $_tile_overlayer_lowered  }
0x9b: {  	s22 =	simm.s32 $0x1BFF;
	s21 =	sshll.u32 s6, $0x1;
	s3 =	sadd.s32 s4, s19  }
0x9c: {  	s7 =	simm.s32 $0x0;
	s20 =	sshll.u32 s5, $0x1;
	s5 =	sadd.s32 s21, s3  }
0x9d: {  	[timem:s7], [sflag:s22] =	dma.local [hbm:s5], s20  }
0x9e: {  	_ =	swait.ge [sflag:s22], s20  }
0x9f: {  	s4 =	ssub.s32 $0x0, s20;
	[sflag:s22] =	ssyncset.done $0x0  }
0xa0: {  	[sflag:s22] =	ssyncadd.s32 s4;
	_ =	sdelay $0x1  }
0xa1: {  	s23 =	simm.s32 $0x1B8B  }
0xa2: {  	_ =	swait.ge [sflag:s23], $0x1  }
0xa3: {  	[sflag:s23] =	ssyncset.done $0x0  }
0xa4: {  	s25 =	simm.s32 $0x1B8E;
	s24 =	sld [smem:$0x3FFE];
	[sflag:s23] =	ssyncadd.s32 $0xFFFFFFFF  }
0xa5: {  	s26 =	simm.s32 $execute0_lowered;
	[smem:$0x3FD2] =	sst s25  }
0xa6: {  	s5 =	sshll.u32 s26, $0x1;
	_ =	strace $0x80000046;
	[dreg:$0x1] =	wrdreg $0xFFFFFFFF  }
0xa7: {  	s28 =	simm.s32 $_size_execute0_lowered;
	s3 =	sadd.s32 s3, s5;
	[dreg:$0x0] =	wrdreg $0x0  }
0xa8: {  	s5 =	sshll.u32 s28, $0x1;
	[dreg:$0x2] =	wrdreg s3  }
0xa9: {  	[dreg:$0x3] =	wrdreg s5  }
0xaa: {  	[dreg:$0x4] =	wrdreg $0xC0  }
0xab: {  	_ =	task [dreg:s7], $0x5FFFF  }
0xac: {  	[dreg:$0x1] =	wrdreg $0xFFFFFFFF  }
0xad: {  	[dreg:$0x0] =	wrdreg $0x60  }
0xae: {  	[dreg:$0x2] =	wrdreg s2  }
0xaf: {  	[dreg:$0x3] =	wrdreg s24  }
0xb0: {  	[dreg:$0x4] =	wrdreg $0x9  }
0xb1: {  	_ =	task.clear_ibuf [dreg:s7], $0x5FFFF;
	_ =	strace $0x90000046  }
0xb2: {  	s29 =	simm.s32 $0x9;
	_ =	strace $0x80000048  }
0xb3: {  	_ =	swait.ge [sflag:s29], $0x1  }
0xb4: {  	[sflag:s29] =	ssyncadd.s32 $0xFFFFFFFF  }
0xb5: {  	_ =	strace $0x90000048  }
0xb6: {  	_ =	sfence  }
0xb7: {  	s30 =	sld [smem:$0x0];
	_ =	sdelay $0x2  }
0xb8: {  	s31 =	sshll.u32 s1, $0xD;
	s1 =	sshrl.u32 s1, $0x2  }
0xb9: {  	s3 =	sand.u32 $0x4000, s31;
	s1 =	sadd.s32 s1, s30  }
0xba: {  	s0 =	sor.u32 s3, s0;
	s1 =	sshll.u32 s1, $0x11  }
0xbb: {  	s0 =	sor.u32 s1, s0  }
0xbc: {  	s0 =	sadd.s32 $0x8F2B, s0  }
0xbd: {  	[sflag:s0] =	ssyncadd.remote.s32 $0x1  }
0xbe: {  	_ =	sfence.sel $0xFFFF  }
0xbf: {  	[dreg:$0x0] =	wrdreg $0xFFFFFFFF;
	(pc) =	sbr.abs _section_cstart, $3  }
0xc0: {  	[dreg:$0x1] =	wrdreg $0xFFFFFFFF  }
0xc1: {  	_ =	task.clear_ibuf [dreg:s7], $0x2FFFF;
	_ =	strace $0x9FFFFFFF  }
0xc2: {  	(tm) =	ssettm $0x7FFFFFFF  }
0xc3: {  	_ =	shalt  }
tec
execute0_lowered:
.L_overlay_start_1:
0x0: {  	(tag) =	ssettag $0x1  }
0x1: {  	v0 =	vlaneseq.u32  }
0x2: {  	s6 =	rddreg [dreg:$0x0];
	v0 =	vmul.u32 $0x88, v0  }
0x3: {  	s4 =	rddreg [dreg:$0x1];
	s3 =	srdreg.scid;
	v1 =	vimm.s32 $0x0;
	vm0 =	vcmask $0x300  }
0x4: {  	s1 =	stileid.u32;
	s2 =	simm.s32 $0x0;
	s10 =	simm.s32 $0x6400;
	v1 =	vsel vm0, $0x3, v1;
	v2 =	vadd.s32 $0x880, v0  }
0x5: {  	s11 =	simm.s32 $0x8400;
	s12 =	simm.s32 $0x100;
	s13 =	simm.s32 $0xA400;
	v3 =	vadd.s32 $0x1100, v0;
	v4 =	vadd.s32 $0x1980, v0;
	v5 =	vor.u32 $0x1, v0  }
0x6: {  	s14 =	simm.s32 $0x180;
	s15 =	simm.s32 $0xC400;
	s16 =	simm.s32 $0x1;
	v6 =	vadd.s32 $0x881, v0;
	v7 =	vadd.s32 $0x1101, v0;
	v8 =	vadd.s32 $0x1981, v0  }
0x7: {  	s17 =	simm.s32 $0xE400;
	s18 =	simm.s32 $0x2;
	s19 =	simm.s32 $0x6;
	v9 =	vor.u32 $0x2, v0;
	v10 =	vadd.s32 $0x882, v0;
	v11 =	vadd.s32 $0x1102, v0  }
0x8: {  	s20 =	simm.s32 $0x10600;
	s21 =	simm.s32 $0x3;
	s22 =	simm.s32 $0x5;
	v12 =	vadd.s32 $0x1982, v0;
	v13 =	vor.u32 $0x3, v0;
	v14 =	vadd.s32 $0x883, v0  }
0x9: {  	s23 =	simm.s32 $0x4;
	s3 =	sand.u32 $0x1, s3;
	s5 =	sshll.u32 s1, $0x1;
	v15 =	vadd.s32 $0x1103, v0;
	v16 =	vadd.s32 $0x1983, v0;
	v17 =	vor.u32 $0x4, v0  }
0xa: {  	s24 =	simm.s32 $0x0;
	[smem:$0x7FF] =	sst s2;
	s5 =	sor.u32 s3, s5;
	v18 =	vadd.s32 $0x884, v0;
	v19 =	vadd.s32 $0x1104, v0;
	v20 =	vadd.s32 $0x1984, v0  }
0xb: {  	_ =	strace $0x80000047;
	s7 =	ssub.s32 $0x2, s3;
	s3 =	sadd.s32 $0xF42A00, s4;
	v21 =	vor.u32 $0x5, v0;
	v22 =	vadd.s32 $0x885, v0;
	v23 =	vadd.s32 $0x1105, v0  }
0xc: {  	s4 =	sadd.s32 $0x600, s4;
	s8 =	smul.u32 $0xC80, s5;
	s9 =	sshrl.u32 s7, $0x1;
	v24 =	vadd.s32 $0x1985, v0;
	v25 =	vor.u32 $0x6, v0;
	v26 =	vadd.s32 $0x886, v0  }
0xd: {  	s5 =	sshll.u32 s5, $0x9;
	v27 =	vadd.s32 $0x1106, v0;
	v28 =	vadd.s32 $0x1986, v0;
	v29 =	vor.u32 $0x7, v0;
	s7 =	ssub.s32 s7, s9;
	s9 =	simm.s32 $0x80  }
0xe: {  	v30 =	vadd.s32 $0x887, v0;
	v31 =	vadd.s32 $0x1107, v0;
	v32 =	vadd.s32 $0x1987, v0;
	s6 =	sadd.s32 s6, s8;
	s7 =	smax.u32 s7, $0x1;
	s8 =	simm.s32 $0x7  }
.LBB2_1:
0xf: {  	[tilespmem:s2], [sflag:$0x7] =	stream.linear.gather [hbm4b:s6+s2], $0x6400, $0x38;
	[tilespmem:$0x12800] =	vst v63  }
0x10: {  	_ =	swait.ge [sflag:s8], $0x6400  }
0x11: {  	[sflag:s8] =	ssyncset.done $0x0  }
0x12: {  	[sflag:s8] =	ssyncadd.s32 $0xFFFF9C00  }
0x13: {  	[tilespmem:s10], [sflag:$0x1] =	stream.indirect.gather [hbm4b:s3+s9], $0x40, s2, s9, $0xb8;
	[tilespmem:$0x12800] =	vst v63  }
0x14: {  	_ = 	snop  }
0x15: {  	[tilespmem:s11], [sflag:$0x2] =	stream.indirect.gather [hbm4b:s3+s9], $0x40, s9, s9, $0xb8;
	[tilespmem:$0x12800] =	vst v63  }
0x16: {  	_ = 	snop  }
0x17: {  	[tilespmem:s13], [sflag:$0x3] =	stream.indirect.gather [hbm4b:s3+s9], $0x40, s12, s9, $0xb8;
	[tilespmem:$0x12800] =	vst v63  }
0x18: {  	s26 =	simm.s32 $0x0  }
0x19: {  	[tilespmem:s15], [sflag:$0x4] =	stream.indirect.gather [hbm4b:s3+s9], $0x40, s14, s9, $0xb8;
	[tilespmem:$0x12800] =	vst v63  }
.LBB2_2:
0x1a: {  	s25 =	simm.s32 $0x0;
	s31 =	simm.s32 $0x1  }
0x1b: {  	s28 =	simm.s32 $0x2;
	s0 =	simm.s32 $0x3;
	s29 =	simm.s32 $0x7;
	v33 =	vmov s25;
	v34 =	vmov s31  }
0x1c: {  	_ =	swait.ge [sflag:s16], $0x2000;
	s30 =	simm.s32 $0x5;
	v35 =	vmov s28;
	s28 =	simm.s32 $0x4;
	v36 =	vmov s0;
	v38 =	vmov s29  }
0x1d: {  	p0 =	seq.s32 s26, $0x0;
	[sflag:s16] =	ssyncset.done $0x0;
	v39 =	vmov s30;
	s31 =	simm.s32 $0x6;
	v33 =	vshrl.u32 v33, $0x3;
	v37 =	vmov s28  }
0x1e: {  	[sflag:s16] =	ssyncadd.s32 $0xFFFFE000;
	s28 =	simm.s32 @!p0 $0x5;
	v38 =	vshrl.u32 v38, $0x3;
	v40 =	vmov s31;
	v34 =	vshrl.u32 v34, $0x3  }
0x1f: {  	v35 =	vshrl.u32 v35, $0x3;
	v36 =	vshrl.u32 v36, $0x3;
	_ =	swait.ge @!p0 [sflag:s28], $0x2000;
	v38 =	vshll.u32 v38, v1  }
0x20: {  	v55 =	vshrl.u32 v39, $0x3;
	v33 =	vshll.u32 v33, v1;
	[sflag:s28] =	ssyncset.done @!p0 $0x0;
	v38 =	vbroadcast v38, $0x0  }
0x21: {  	s25 =	simm.s32 $0x6500;
	v37 =	vshrl.u32 v37, $0x3;
	v34 =	vshll.u32 v34, v1;
	v33 =	vbroadcast v33, $0x0;
	[sflag:s28] =	ssyncadd.s32 @!p0 $0xFFFFE000  }
0x22: {  	v52 =	vshll.u32 v35, v1;
	v45 =	vbroadcast v34, $0x0;
	v41 =	vld [tilespmem:s25+$0xC0];
	v42 =	vadd.s32 v29, v38  }
0x23: {  	v53 =	vshll.u32 v36, v1;
	v52 =	vbroadcast v52, $0x0;
	v43 =	vld [tilespmem:s25+$0xFFFFFF00];
	v44 =	vadd.s32 v0, v33  }
0x24: {  	v36 =	vshll.u32 v55, v1;
	v35 =	vbroadcast v53, $0x0;
	v46 =	vld [tilespmem:s25+$0xFFFFFF40];
	v47 =	vadd.s32 v5, v45  }
0x25: {  	v54 =	vshll.u32 v37, v1;
	v37 =	vbroadcast v36, $0x0;
	v48 =	vld [tilespmem:s25+$0xFFFFFF80];
	v49 =	vadd.s32 v9, v52  }
0x26: {  	v40 =	vshrl.u32 v40, $0x3;
	v34 =	vbroadcast v54, $0x0;
	v39 =	vld [tilespmem:s25+$0xFFFFFFC0];
	v50 =	vadd.s32 v13, v35  }
0x27: {  	v56 =	vshll.u32 v40, v1;
	v59 =	vld [tilespmem:s25+$0x40];
	v60 =	vadd.s32 v21, v37;
	[tilespmem:v42+s17+$0x0] =	vst.idx.msk $0xffff, v41  }
0x28: {  	v36 =	vbroadcast v56, $0x0;
	v51 =	vld [tilespmem:s25+$0x0];
	v53 =	vadd.s32 v17, v34;
	[tilespmem:v44+s17+$0x0] =	vst.idx.msk $0xffff, v43  }
0x29: {  	v58 =	vadd.s32 v30, v38;
	[tilespmem:v47+s17+$0x0] =	vst.idx.msk $0xffff, v46;
	v57 =	vld [tilespmem:s25+$0xD0]  }
0x2a: {  	v61 =	vld [tilespmem:s25+$0x80];
	v62 =	vadd.s32 v25, v36;
	[tilespmem:v49+s17+$0x0] =	vst.idx.msk $0xffff, v48  }
0x2b: {  	v63 =	vadd.s32 v6, v45;
	[tilespmem:v50+s17+$0x0] =	vst.idx.msk $0xffff, v39;
	v47 =	vld [tilespmem:s25+$0xFFFFFF50]  }
0x2c: {  	v55 =	vadd.s32 v10, v52;
	[tilespmem:v60+s17+$0x0] =	vst.idx.msk $0xffff, v59;
	v54 =	vld [tilespmem:s25+$0xFFFFFF90]  }
0x2d: {  	v56 =	vadd.s32 v14, v35;
	[tilespmem:v53+s17+$0x0] =	vst.idx.msk $0xffff, v51;
	v50 =	vld [tilespmem:s25+$0xFFFFFFD0]  }
0x2e: {  	v46 =	vadd.s32 v22, v37;
	v44 =	vld [tilespmem:s25+$0x50];
	[tilespmem:v58+s17+$0x0] =	vst.idx.msk $0xffff, v57  }
0x2f: {  	[tilespmem:v62+s17+$0x0] =	vst.idx.msk $0xffff, v61;
	v57 =	vadd.s32 v31, v38;
	v40 =	vld [tilespmem:s25+$0xE0]  }
0x30: {  	v61 =	vld [tilespmem:s25+$0xFFFFFF10];
	v62 =	vadd.s32 v2, v33;
	[tilespmem:v63+s17+$0x0] =	vst.idx.msk $0xffff, v47  }
0x31: {  	v59 =	vadd.s32 v18, v34;
	v58 =	vld [tilespmem:s25+$0x10];
	[tilespmem:v55+s17+$0x0] =	vst.idx.msk $0xffff, v54  }
0x32: {  	v60 =	vadd.s32 v26, v36;
	v63 =	vld [tilespmem:s25+$0x90];
	[tilespmem:v56+s17+$0x0] =	vst.idx.msk $0xffff, v50  }
0x33: {  	v51 =	vadd.s32 v7, v45;
	[tilespmem:v46+s17+$0x0] =	vst.idx.msk $0xffff, v44;
	v50 =	vld [tilespmem:s25+$0xFFFFFF60]  }
0x34: {  	v56 =	vadd.s32 v11, v52;
	v55 =	vld [tilespmem:s25+$0xFFFFFFA0];
	[tilespmem:v57+s17+$0x0] =	vst.idx.msk $0xffff, v40  }
0x35: {  	v38 =	vadd.s32 v32, v38;
	[tilespmem:v62+s17+$0x0] =	vst.idx.msk $0xffff, v61;
	v54 =	vld [tilespmem:s25+$0xF0]  }
0x36: {  	[tilespmem:v59+s17+$0x0] =	vst.idx.msk $0xffff, v58;
	v58 =	vadd.s32 v15, v35;
	v57 =	vld [tilespmem:s25+$0xFFFFFFE0]  }
0x37: {  	s28 =	simm.s32 $0x8;
	[tilespmem:v60+s17+$0x0] =	vst.idx.msk $0xffff, v63;
	v60 =	vadd.s32 v19, v34;
	v59 =	vld [tilespmem:s25+$0x20]  }
0x38: {  	v41 =	vadd.s32 v23, v37;
	v63 =	vmov s28;
	s28 =	simm.s32 $0x9;
	[tilespmem:v51+s17+$0x0] =	vst.idx.msk $0xffff, v50;
	v40 =	vld [tilespmem:s25+$0x60]  }
0x39: {  	s29 =	simm.s32 $0xB;
	v43 =	vadd.s32 v27, v36;
	v48 =	vadd.s32 v3, v33;
	v53 =	vmov s28;
	s28 =	simm.s32 $0xA;
	v42 =	vld [tilespmem:s25+$0xA0];
	[tilespmem:v56+s17+$0x0] =	vst.idx.msk $0xffff, v55  }
0x3a: {  	v44 =	vmov s29;
	v52 =	vadd.s32 v12, v52;
	v46 =	vld [tilespmem:s25+$0xFFFFFF20];
	[tilespmem:v38+s17+$0x0] =	vst.idx.msk $0xffff, v54;
	v54 =	vmov s28;
	s28 =	simm.s32 $0xC  }
0x3b: {  	s29 =	simm.s32 $0xD;
	v39 =	vshrl.u32 v63, $0x3;
	v51 =	vadd.s32 v8, v45;
	v49 =	vld [tilespmem:s25+$0xFFFFFF70];
	[tilespmem:v58+s17+$0x0] =	vst.idx.msk $0xffff, v57;
	v47 =	vmov s28;
	s28 =	simm.s32 $0xE  }
0x3c: {  	v45 =	vshll.u32 v39, v1;
	v50 =	vld [tilespmem:s25+$0xFFFFFFB0];
	[tilespmem:v60+s17+$0x0] =	vst.idx.msk $0xffff, v59;
	v38 =	vmov s29;
	s29 =	simm.s32 $0xF;
	v39 =	vmov s28;
	s28 =	simm.s32 $0x10  }
.LBB2_3:
0x3d: {  	p1 =	slt.u32 s28, $0x78;
	v53 =	vshrl.u32 v53, $0x3;
	v55 =	vmov s29;
	v56 =	vld [tilespmem:s25+$0xFFFFFFF0];
	v35 =	vadd.s32 v16, v35;
	[tilespmem:v41+s17+$0x0] =	vst.idx.msk $0xffff, v40  }
0x3e: {  	v40 =	vshrl.u32 v54, $0x3;
	v34 =	vadd.s32 v20, v34;
	v41 =	vshrl.u32 v55, $0x3;
	v54 =	vld [tilespmem:s25+$0x30];
	[tilespmem:v43+s17+$0x0] =	vst.idx.msk $0xffff, v42  }
0x3f: {  	v37 =	vadd.s32 v24, v37;
	v42 =	vshrl.u32 v44, $0x3;
	v41 =	vshll.u32 v41, v1;
	[tilespmem:v48+s17+$0x0] =	vst.idx.msk $0xffff, v46;
	v43 =	vld [tilespmem:s25+$0x70]  }
0x40: {  	v36 =	vadd.s32 v28, v36;
	v44 =	vshrl.u32 v47, $0x3;
	v41 =	vbroadcast v41, $0x0;
	[tilespmem:v51+s17+$0x0] =	vst.idx.msk $0xffff, v49;
	v46 =	vld [tilespmem:s25+$0xB0]  }
0x41: {  	v47 =	vshll.u32 v53, v1;
	v49 =	vadd.s32 v4, v33;
	v33 =	vbroadcast v45, $0x0;
	v48 =	vld [tilespmem:s25+$0xFFFFFF30];
	[tilespmem:v52+s17+$0x0] =	vst.idx.msk $0xffff, v50;
	s25 =	sadd.s32 $0x200, s25  }
0x42: {  	v40 =	vshll.u32 v40, v1;
	v45 =	vbroadcast v47, $0x0;
	v47 =	vld [tilespmem:s25+$0xC0];
	v50 =	vadd.s32 v29, v41;
	[tilespmem:v35+s17+$0x0] =	vst.idx.msk $0xffff, v56  }
0x43: {  	v55 =	vbroadcast v40, $0x0;
	v52 =	vadd.s32 v0, v33;
	v35 =	vshll.u32 v42, v1;
	v51 =	vld [tilespmem:s25+$0xFFFFFF00];
	[tilespmem:v34+s17+$0x0] =	vst.idx.msk $0xffff, v54  }
0x44: {  	v42 =	vadd.s32 v5, v45;
	v35 =	vbroadcast v35, $0x0;
	v34 =	vshll.u32 v44, v1;
	v40 =	vld [tilespmem:s25+$0xFFFFFF40];
	[tilespmem:v37+s17+$0x0] =	vst.idx.msk $0xffff, v43  }
0x45: {  	v44 =	vadd.s32 v9, v55;
	v34 =	vbroadcast v34, $0x0;
	v37 =	vshrl.u32 v38, $0x3;
	v43 =	vld [tilespmem:s25+$0xFFFFFF80];
	[tilespmem:v36+s17+$0x0] =	vst.idx.msk $0xffff, v46  }
0x46: {  	v39 =	vshrl.u32 v39, $0x3;
	v46 =	vadd.s32 v13, v35;
	v36 =	vshll.u32 v37, v1;
	v38 =	vld [tilespmem:s25+$0xFFFFFFC0];
	[tilespmem:v49+s17+$0x0] =	vst.idx.msk $0xffff, v48  }
0x47: {  	v49 =	vadd.s32 v17, v34;
	v37 =	vbroadcast v36, $0x0;
	v36 =	vshll.u32 v39, v1;
	v48 =	vld [tilespmem:s25+$0x0];
	[tilespmem:v50+s17+$0x0] =	vst.idx.msk $0xffff, v47  }
0x48: {  	v36 =	vbroadcast v36, $0x0;
	v47 =	vadd.s32 v30, v41;
	[tilespmem:v52+s17+$0x0] =	vst.idx.msk $0xffff, v51;
	v39 =	vld [tilespmem:s25+$0xD0]  }
0x49: {  	[tilespmem:v42+s17+$0x0] =	vst.idx.msk $0xffff, v40;
	v40 =	vld [tilespmem:s25+$0x40];
	v42 =	vadd.s32 v21, v37  }
0x4a: {  	[tilespmem:v44+s17+$0x0] =	vst.idx.msk $0xffff, v43;
	v43 =	vld [tilespmem:s25+$0x80];
	v44 =	vadd.s32 v25, v36  }
0x4b: {  	v51 =	vadd.s32 v6, v45;
	v50 =	vld [tilespmem:s25+$0xFFFFFF50];
	[tilespmem:v46+s17+$0x0] =	vst.idx.msk $0xffff, v38  }
0x4c: {  	v46 =	vadd.s32 v10, v55;
	v38 =	vld [tilespmem:s25+$0xFFFFFF90];
	[tilespmem:v49+s17+$0x0] =	vst.idx.msk $0xffff, v48  }
0x4d: {  	v49 =	vadd.s32 v14, v35;
	v48 =	vld [tilespmem:s25+$0xFFFFFFD0];
	[tilespmem:v47+s17+$0x0] =	vst.idx.msk $0xffff, v39  }
0x4e: {  	[tilespmem:v42+s17+$0x0] =	vst.idx.msk $0xffff, v40;
	v39 =	vld [tilespmem:s25+$0xE0];
	v40 =	vadd.s32 v31, v41  }
0x4f: {  	v47 =	vadd.s32 v18, v34;
	v42 =	vld [tilespmem:s25+$0x10];
	[tilespmem:v44+s17+$0x0] =	vst.idx.msk $0xffff, v43  }
0x50: {  	v44 =	vadd.s32 v22, v37;
	[tilespmem:v51+s17+$0x0] =	vst.idx.msk $0xffff, v50;
	v43 =	vld [tilespmem:s25+$0x50]  }
0x51: {  	[tilespmem:v46+s17+$0x0] =	vst.idx.msk $0xffff, v38;
	v38 =	vld [tilespmem:s25+$0x90];
	v46 =	vadd.s32 v26, v36  }
0x52: {  	v51 =	vadd.s32 v2, v33;
	v50 =	vld [tilespmem:s25+$0xFFFFFF10];
	[tilespmem:v49+s17+$0x0] =	vst.idx.msk $0xffff, v48  }
0x53: {  	v49 =	vadd.s32 v7, v45;
	v48 =	vld [tilespmem:s25+$0xFFFFFF60];
	[tilespmem:v40+s17+$0x0] =	vst.idx.msk $0xffff, v39  }
0x54: {  	[tilespmem:v47+s17+$0x0] =	vst.idx.msk $0xffff, v42;
	v39 =	vld [tilespmem:s25+$0xF0];
	v47 =	vadd.s32 v32, v41  }
0x55: {  	v56 =	vadd.s32 v11, v55;
	v52 =	vld [tilespmem:s25+$0xFFFFFFA0];
	[tilespmem:v44+s17+$0x0] =	vst.idx.msk $0xffff, v43  }
0x56: {  	v58 =	vadd.s32 v15, v35;
	v57 =	vld [tilespmem:s25+$0xFFFFFFE0];
	[tilespmem:v46+s17+$0x0] =	vst.idx.msk $0xffff, v38  }
0x57: {  	v60 =	vadd.s32 v19, v34;
	[tilespmem:v51+s17+$0x0] =	vst.idx.msk $0xffff, v50;
	v59 =	vld [tilespmem:s25+$0x20]  }
.Ltmp0:
0x58: {  	s29 =	sadd.s32 $0x1, s28;
	v41 =	vadd.s32 v23, v37;
	v38 =	vmov s28;
	[tilespmem:v49+s17+$0x0] =	vst.idx.msk $0xffff, v48;
	v40 =	vld [tilespmem:s25+$0x60];
	(pc) =	sbr.rel @p1 .LBB2_3-.Ltmp0, $4  }
0x59: {  	s30 =	sadd.s32 $0x3, s28;
	v53 =	vmov s29;
	s29 =	sadd.s32 $0x2, s28;
	v43 =	vadd.s32 v27, v36;
	v50 =	vshrl.u32 v38, $0x3;
	v42 =	vld [tilespmem:s25+$0xA0];
	[tilespmem:v47+s17+$0x0] =	vst.idx.msk $0xffff, v39  }
0x5a: {  	v54 =	vmov s29;
	s29 =	sadd.s32 $0x4, s28;
	v44 =	vmov s30;
	s30 =	sadd.s32 $0x5, s28;
	v48 =	vadd.s32 v3, v33;
	v46 =	vld [tilespmem:s25+$0xFFFFFF20];
	[tilespmem:v56+s17+$0x0] =	vst.idx.msk $0xffff, v52  }
0x5b: {  	v38 =	vmov s30;
	v51 =	vadd.s32 v8, v45;
	v47 =	vmov s29;
	s29 =	sadd.s32 $0x6, s28;
	v49 =	vld [tilespmem:s25+$0xFFFFFF70];
	[tilespmem:v58+s17+$0x0] =	vst.idx.msk $0xffff, v57  }
0x5c: {  	v45 =	vshll.u32 v50, v1;
	v39 =	vmov s29;
	s29 =	sadd.s32 $0x7, s28;
	s28 =	sadd.s32 $0x8, s28;
	v52 =	vadd.s32 v12, v55;
	v50 =	vld [tilespmem:s25+$0xFFFFFFB0];
	[tilespmem:v60+s17+$0x0] =	vst.idx.msk $0xffff, v59  }
0x5d: {  	_ =	sdelay $0x2  }
0x5e: {  	v53 =	vshrl.u32 v53, $0x3  }
0x5f: {  	v55 =	vmov s29;
	v56 =	vld [tilespmem:s25+$0xFFFFFFF0];
	v35 =	vadd.s32 v16, v35;
	[tilespmem:v41+s17+$0x0] =	vst.idx.msk $0xffff, v40;
	v57 =	vshrl.u32 v54, $0x3  }
0x60: {  	v59 =	vld [tilespmem:s25+$0x30];
	v34 =	vadd.s32 v20, v34;
	v60 =	vshrl.u32 v44, $0x3;
	v58 =	vshrl.u32 v55, $0x3;
	[tilespmem:v43+s17+$0x0] =	vst.idx.msk $0xffff, v42  }
0x61: {  	v37 =	vadd.s32 v24, v37;
	v62 =	vshrl.u32 v47, $0x3;
	v61 =	vld [tilespmem:s25+$0x70];
	v41 =	vshll.u32 v58, v1;
	[tilespmem:v48+s17+$0x0] =	vst.idx.msk $0xffff, v46  }
0x62: {  	v36 =	vadd.s32 v28, v36;
	v45 =	vbroadcast v45, $0x0;
	v63 =	vld [tilespmem:s25+$0xB0];
	v41 =	vbroadcast v41, $0x0;
	[tilespmem:v51+s17+$0x0] =	vst.idx.msk $0xffff, v49  }
0x63: {  	v33 =	vadd.s32 v4, v33;
	s30 =	sadd.s32 $0x200, s25;
	v38 =	vshrl.u32 v38, $0x3;
	v55 =	vshll.u32 v53, v1;
	v48 =	vld [tilespmem:s25+$0xFFFFFF30];
	[tilespmem:v52+s17+$0x0] =	vst.idx.msk $0xffff, v50  }
0x64: {  	v40 =	vshll.u32 v57, v1;
	v47 =	vbroadcast v55, $0x0;
	v49 =	vld [tilespmem:s30+$0xC0];
	v50 =	vadd.s32 v29, v41;
	[tilespmem:v35+s17+$0x0] =	vst.idx.msk $0xffff, v56  }
0x65: {  	v42 =	vshll.u32 v60, v1;
	v40 =	vbroadcast v40, $0x0;
	v35 =	vld [tilespmem:s30+$0xFFFFFF00];
	v56 =	vadd.s32 v0, v45;
	[tilespmem:v34+s17+$0x0] =	vst.idx.msk $0xffff, v59  }
0x66: {  	v57 =	vld [tilespmem:s30+$0xFFFFFF40];
	v44 =	vshll.u32 v62, v1;
	v42 =	vbroadcast v42, $0x0;
	v58 =	vadd.s32 v5, v47;
	[tilespmem:v37+s17+$0x0] =	vst.idx.msk $0xffff, v61  }
0x67: {  	v38 =	vshll.u32 v38, v1;
	v44 =	vbroadcast v44, $0x0;
	v60 =	vadd.s32 v9, v40;
	v59 =	vld [tilespmem:s30+$0xFFFFFF80];
	[tilespmem:v36+s17+$0x0] =	vst.idx.msk $0xffff, v63  }
0x68: {  	v38 =	vbroadcast v38, $0x0;
	v62 =	vadd.s32 v13, v42;
	v61 =	vld [tilespmem:s30+$0xFFFFFFC0];
	[tilespmem:v33+s17+$0x0] =	vst.idx.msk $0xffff, v48  }
0x69: {  	v39 =	vshrl.u32 v39, $0x3;
	v63 =	vadd.s32 v17, v44;
	v33 =	vld [tilespmem:s30+$0x0];
	[tilespmem:v50+s17+$0x0] =	vst.idx.msk $0xffff, v49  }
0x6a: {  	v39 =	vshll.u32 v39, v1;
	v34 =	vld [tilespmem:s30+$0x40];
	[tilespmem:v56+s17+$0x0] =	vst.idx.msk $0xffff, v35;
	v56 =	vadd.s32 v21, v38  }
0x6b: {  	[tilespmem:v58+s17+$0x0] =	vst.idx.msk $0xffff, v57;
	v35 =	vbroadcast v39, $0x0;
	v49 =	vadd.s32 v30, v41;
	v39 =	vld [tilespmem:s30+$0xD0]  }
0x6c: {  	[tilespmem:v60+s17+$0x0] =	vst.idx.msk $0xffff, v59;
	v59 =	vld [tilespmem:s30+$0xFFFFFF50];
	v60 =	vadd.s32 v6, v47  }
0x6d: {  	v57 =	vld [tilespmem:s30+$0x80];
	[tilespmem:v62+s17+$0x0] =	vst.idx.msk $0xffff, v61;
	v58 =	vadd.s32 v25, v35  }
0x6e: {  	v61 =	vld [tilespmem:s30+$0xFFFFFF90];
	v62 =	vadd.s32 v10, v40;
	[tilespmem:v63+s17+$0x0] =	vst.idx.msk $0xffff, v33  }
0x6f: {  	v33 =	vld [tilespmem:s30+$0xFFFFFFD0];
	v63 =	vadd.s32 v14, v42;
	[tilespmem:v56+s17+$0x0] =	vst.idx.msk $0xffff, v34  }
0x70: {  	v56 =	vadd.s32 v18, v44;
	[tilespmem:v49+s17+$0x0] =	vst.idx.msk $0xffff, v39;
	v49 =	vld [tilespmem:s30+$0x10]  }
0x71: {  	[tilespmem:v60+s17+$0x0] =	vst.idx.msk $0xffff, v59;
	v39 =	vadd.s32 v31, v41;
	v34 =	vld [tilespmem:s30+$0xE0]  }
0x72: {  	[tilespmem:v58+s17+$0x0] =	vst.idx.msk $0xffff, v57;
	v57 =	vld [tilespmem:s30+$0x50];
	v58 =	vadd.s32 v22, v38  }
0x73: {  	[tilespmem:v62+s17+$0x0] =	vst.idx.msk $0xffff, v61;
	v61 =	vld [tilespmem:s30+$0xFFFFFF10];
	v62 =	vadd.s32 v2, v45  }
0x74: {  	v60 =	vadd.s32 v26, v35;
	v59 =	vld [tilespmem:s30+$0x90];
	[tilespmem:v63+s17+$0x0] =	vst.idx.msk $0xffff, v33  }
0x75: {  	v55 =	vadd.s32 v11, v40;
	v54 =	vadd.s32 v32, v41;
	v41 =	vld [tilespmem:s30+$0xFFFFFFA0];
	[tilespmem:v56+s17+$0x0] =	vst.idx.msk $0xffff, v49  }
0x76: {  	v53 =	vadd.s32 v7, v47;
	v63 =	vld [tilespmem:s30+$0xFFFFFF60];
	[tilespmem:v39+s17+$0x0] =	vst.idx.msk $0xffff, v34  }
0x77: {  	v56 =	vld [tilespmem:s30+$0xFFFFFFE0];
	[tilespmem:v58+s17+$0x0] =	vst.idx.msk $0xffff, v57;
	v57 =	vadd.s32 v15, v42  }
0x78: {  	[tilespmem:v62+s17+$0x0] =	vst.idx.msk $0xffff, v61;
	v34 =	vld [tilespmem:s30+$0xF0]  }
0x79: {  	v58 =	vld [tilespmem:s30+$0x20];
	[tilespmem:v60+s17+$0x0] =	vst.idx.msk $0xffff, v59;
	v59 =	vadd.s32 v19, v44  }
0x7a: {  	v61 =	vadd.s32 v23, v38;
	[tilespmem:v55+s17+$0x0] =	vst.idx.msk $0xffff, v41;
	v60 =	vld [tilespmem:s30+$0x60]  }
0x7b: {  	[tilespmem:v53+s17+$0x0] =	vst.idx.msk $0xffff, v63;
	v63 =	vadd.s32 v27, v35;
	v62 =	vld [tilespmem:s30+$0xA0]  }
0x7c: {  	v47 =	vadd.s32 v8, v47;
	v55 =	vld [tilespmem:s30+$0xFFFFFF70];
	[tilespmem:v57+s17+$0x0] =	vst.idx.msk $0xffff, v56  }
0x7d: {  	v53 =	vld [tilespmem:s30+$0xFFFFFF20];
	[tilespmem:v54+s17+$0x0] =	vst.idx.msk $0xffff, v34;
	v54 =	vadd.s32 v3, v45  }
0x7e: {  	v40 =	vadd.s32 v12, v40;
	v56 =	vld [tilespmem:s30+$0xFFFFFFB0];
	[tilespmem:v59+s17+$0x0] =	vst.idx.msk $0xffff, v58  }
0x7f: {  	v42 =	vadd.s32 v16, v42;
	v57 =	vld [tilespmem:s30+$0xFFFFFFF0];
	[tilespmem:v61+s17+$0x0] =	vst.idx.msk $0xffff, v60  }
0x80: {  	v59 =	vadd.s32 v20, v44;
	v58 =	vld [tilespmem:s30+$0x30];
	[tilespmem:v63+s17+$0x0] =	vst.idx.msk $0xffff, v62  }
0x81: {  	v38 =	vadd.s32 v24, v38;
	v60 =	vld [tilespmem:s30+$0x70];
	[tilespmem:v47+s17+$0x0] =	vst.idx.msk $0xffff, v55  }
0x82: {  	v35 =	vadd.s32 v28, v35;
	v61 =	vld [tilespmem:s30+$0xB0];
	[tilespmem:v54+s17+$0x0] =	vst.idx.msk $0xffff, v53  }
0x83: {  	v63 =	vadd.s32 v4, v45;
	[tilespmem:v40+s17+$0x0] =	vst.idx.msk $0xffff, v56;
	v62 =	vld [tilespmem:s30+$0xFFFFFF30]  }
0x84: {  	[tilespmem:v42+s17+$0x0] =	vst.idx.msk $0xffff, v57  }
0x85: {  	s31 =	sshll.u32 s26, $0x14;
	[tilespmem:v59+s17+$0x0] =	vst.idx.msk $0xffff, v58  }
0x86: {  	s25 =	sor.u32 s5, s31;
	[tilespmem:v38+s17+$0x0] =	vst.idx.msk $0xffff, v60  }
0x87: {  	s28 =	sshrl.u32 s25, $0x3;
	[tilespmem:v35+s17+$0x0] =	vst.idx.msk $0xffff, v61  }
0x88: {  	s29 =	simm.s32 $0xE400;
	s25 =	sadd.s32 s4, s28;
	[tilespmem:v63+s17+$0x0] =	vst.idx.msk $0xffff, v62  }
0x89: {  	[hbm4b:s25+s2] =	stream.linear.scatter [tilespmem:s29], [sflag:$0x5], $0x80, $0x38;
	[tilespmem:$0x12800] =	vst v63  }
0x8a: {  	s29 =	simm.s32 $0x220  }
.LBB2_5:
0x8b: {  	p1 =	sne.s32 s29, $0x85E0  }
.Ltmp1:
0x8c: {  	_ = 	snop;
	(pc) =	sbr.rel @p1 .LBB2_5-.Ltmp1, $4  }
0x8d: {  	_ = 	snop  }
0x8e: {  	s30 =	sshra.s32 s29, $0x2;
	s29 =	sadd.s32 $0x220, s29  }
0x8f: {  	s25 =	sadd.s32 $0x800, s25;
	s30 =	sadd.s32 $0xE400, s30  }
0x90: {  	[hbm4b:s25+s2] =	stream.linear.scatter [tilespmem:s30], [sflag:$0x5], $0x80, $0x38;
	[tilespmem:$0x12800] =	vst v63  }
0x91: {  	p1 =	sne.s32 s26, $0x31  }
.Ltmp2:
0x92: {  	_ = 	snop;
	(pc) =	sbr.rel @p1 .LBB2_8-.Ltmp2, $1  }
0x93: {  	_ =	sdelay $0x3  }
.Ltmp3:
0x94: {  	(pc) =	sbr.rel .LBB2_9-.Ltmp3, $4  }
0x95: {  	_ = 	snop  }
0x96: {  	_ =	swait.ge [sflag:s18], $0x2000  }
0x97: {  	[sflag:s18] =	ssyncset.done $0x0  }
0x98: {  	[sflag:s18] =	ssyncadd.s32 $0xFFFFE000  }
.LBB2_8:
0x99: {  	s25 =	sshll.u32 s26, $0x9  }
0x9a: {  	s25 =	sand.u32 $0x3FFFFE00, s25  }
.Ltmp4:
0x9b: {  	s25 =	sadd.s32 $0x200, s25;
	(pc) =	sbr.rel @p0 .LBB2_10-.Ltmp4, $4  }
0x9c: {  	[tilespmem:s10], [sflag:$0x1] =	stream.indirect.gather [hbm4b:s3+s9], $0x40, s25, s9, $0xb8;
	[tilespmem:$0x12800] =	vst v63  }
0x9d: {  	_ =	swait.ge [sflag:s18], $0x2000  }
0x9e: {  	[sflag:s18] =	ssyncset.done $0x0  }
0x9f: {  	[sflag:s18] =	ssyncadd.s32 $0xFFFFE000  }
.LBB2_9:
0xa0: {  	_ =	swait.ge [sflag:s19], $0x2000  }
0xa1: {  	[sflag:s19] =	ssyncset.done $0x0  }
0xa2: {  	[sflag:s19] =	ssyncadd.s32 $0xFFFFE000  }
.LBB2_10:
0xa3: {  	s25 =	simm.s32 $0x0;
	s0 =	simm.s32 $0x1;
	s29 =	simm.s32 $0x2  }
0xa4: {  	s30 =	simm.s32 $0x7;
	v33 =	vmov s25;
	v34 =	vmov s0;
	s0 =	simm.s32 $0x3;
	v35 =	vmov s29  }
0xa5: {  	s29 =	simm.s32 $0x4;
	v38 =	vmov s30;
	v33 =	vshrl.u32 v33, $0x3;
	v36 =	vmov s0  }
0xa6: {  	s0 =	simm.s32 $0x5;
	v37 =	vmov s29;
	v38 =	vshrl.u32 v38, $0x3;
	v34 =	vshrl.u32 v34, $0x3  }
0xa7: {  	v35 =	vshrl.u32 v35, $0x3;
	v39 =	vmov s0;
	v33 =	vshll.u32 v33, v1  }
0xa8: {  	v38 =	vshll.u32 v38, v1;
	v36 =	vshrl.u32 v36, $0x3;
	v37 =	vshrl.u32 v37, $0x3  }
0xa9: {  	s0 =	simm.s32 $0x6;
	v34 =	vshll.u32 v34, v1;
	v51 =	vshll.u32 v35, v1;
	v38 =	vbroadcast v38, $0x0  }
0xaa: {  	s29 =	simm.s32 $0x85F0;
	v40 =	vmov s0;
	v33 =	vbroadcast v33, $0x0;
	v47 =	vbroadcast v34, $0x0  }
0xab: {  	v41 =	vld [tilespmem:s29+$0xFFFFFFD0];
	v53 =	vbroadcast v51, $0x0;
	v52 =	vshll.u32 v36, v1;
	v42 =	vadd.s32 v29, v38  }
0xac: {  	v43 =	vld [tilespmem:s29+$0xFFFFFE10];
	v54 =	vshll.u32 v37, v1;
	v55 =	vshrl.u32 v39, $0x3;
	v44 =	vadd.s32 v0, v33  }
0xad: {  	v45 =	vld [tilespmem:s29+$0xFFFFFE50];
	v35 =	vbroadcast v52, $0x0;
	v34 =	vbroadcast v54, $0x0;
	v46 =	vadd.s32 v5, v47  }
0xae: {  	v48 =	vld [tilespmem:s29+$0xFFFFFE90];
	v36 =	vshll.u32 v55, v1;
	v40 =	vshrl.u32 v40, $0x3;
	v49 =	vadd.s32 v9, v53  }
0xaf: {  	v39 =	vld [tilespmem:s29+$0xFFFFFED0];
	v37 =	vbroadcast v36, $0x0;
	v56 =	vshll.u32 v40, v1;
	v50 =	vadd.s32 v13, v35  }
0xb0: {  	v51 =	vld [tilespmem:s29+$0xFFFFFF10];
	v52 =	vadd.s32 v17, v34;
	v36 =	vbroadcast v56, $0x0;
	[tilespmem:v42+s20+$0x0] =	vst.idx.msk $0xffff, v41  }
0xb1: {  	v59 =	vld [tilespmem:s29+$0xFFFFFF50];
	v60 =	vadd.s32 v21, v37;
	[tilespmem:v44+s20+$0x0] =	vst.idx.msk $0xffff, v43  }
0xb2: {  	v61 =	vld [tilespmem:s29+$0xFFFFFF90];
	v62 =	vadd.s32 v25, v36;
	[tilespmem:v46+s20+$0x0] =	vst.idx.msk $0xffff, v45  }
0xb3: {  	v58 =	vadd.s32 v30, v38;
	[tilespmem:v49+s20+$0x0] =	vst.idx.msk $0xffff, v48;
	v57 =	vld [tilespmem:s29+$0xFFFFFFE0]  }
0xb4: {  	v63 =	vadd.s32 v6, v47;
	v46 =	vld [tilespmem:s29+$0xFFFFFE60];
	[tilespmem:v50+s20+$0x0] =	vst.idx.msk $0xffff, v39  }
0xb5: {  	v55 =	vadd.s32 v10, v53;
	v54 =	vld [tilespmem:s29+$0xFFFFFEA0];
	[tilespmem:v52+s20+$0x0] =	vst.idx.msk $0xffff, v51  }
0xb6: {  	v56 =	vadd.s32 v14, v35;
	v50 =	vld [tilespmem:s29+$0xFFFFFEE0];
	[tilespmem:v60+s20+$0x0] =	vst.idx.msk $0xffff, v59  }
0xb7: {  	v45 =	vadd.s32 v22, v37;
	[tilespmem:v62+s20+$0x0] =	vst.idx.msk $0xffff, v61;
	v44 =	vld [tilespmem:s29+$0xFFFFFF60]  }
0xb8: {  	v59 =	vadd.s32 v18, v34;
	[tilespmem:v58+s20+$0x0] =	vst.idx.msk $0xffff, v57;
	v58 =	vld [tilespmem:s29+$0xFFFFFF20]  }
0xb9: {  	v57 =	vadd.s32 v31, v38;
	[tilespmem:v63+s20+$0x0] =	vst.idx.msk $0xffff, v46;
	v40 =	vld [tilespmem:s29+$0xFFFFFFF0]  }
0xba: {  	v61 =	vld [tilespmem:s29+$0xFFFFFE20];
	v62 =	vadd.s32 v2, v33;
	[tilespmem:v55+s20+$0x0] =	vst.idx.msk $0xffff, v54  }
0xbb: {  	v60 =	vadd.s32 v26, v36;
	v63 =	vld [tilespmem:s29+$0xFFFFFFA0];
	[tilespmem:v56+s20+$0x0] =	vst.idx.msk $0xffff, v50  }
0xbc: {  	v51 =	vadd.s32 v7, v47;
	v50 =	vld [tilespmem:s29+$0xFFFFFE70];
	[tilespmem:v45+s20+$0x0] =	vst.idx.msk $0xffff, v44  }
0xbd: {  	v55 =	vld [tilespmem:s29+$0xFFFFFEB0];
	v56 =	vadd.s32 v11, v53;
	[tilespmem:v59+s20+$0x0] =	vst.idx.msk $0xffff, v58  }
0xbe: {  	v58 =	vadd.s32 v15, v35;
	[tilespmem:v57+s20+$0x0] =	vst.idx.msk $0xffff, v40;
	v57 =	vld [tilespmem:s29+$0xFFFFFEF0]  }
0xbf: {  	v38 =	vadd.s32 v32, v38;
	[tilespmem:v62+s20+$0x0] =	vst.idx.msk $0xffff, v61;
	v54 =	vld [tilespmem:s29+$0x0]  }
0xc0: {  	[tilespmem:v60+s20+$0x0] =	vst.idx.msk $0xffff, v63;
	v60 =	vadd.s32 v19, v34;
	v59 =	vld [tilespmem:s29+$0xFFFFFF30]  }
0xc1: {  	s0 =	simm.s32 $0x8;
	v41 =	vadd.s32 v23, v37;
	v43 =	vadd.s32 v27, v36;
	[tilespmem:v51+s20+$0x0] =	vst.idx.msk $0xffff, v50;
	v40 =	vld [tilespmem:s29+$0xFFFFFF70]  }
0xc2: {  	s30 =	simm.s32 $0xB;
	v48 =	vadd.s32 v3, v33;
	v53 =	vadd.s32 v12, v53;
	v63 =	vmov s0;
	s0 =	simm.s32 $0x9;
	v42 =	vld [tilespmem:s29+$0xFFFFFFB0];
	[tilespmem:v56+s20+$0x0] =	vst.idx.msk $0xffff, v55  }
0xc3: {  	v44 =	vmov s30;
	s30 =	simm.s32 $0xD;
	v45 =	vld [tilespmem:s29+$0xFFFFFE30];
	v39 =	vshrl.u32 v63, $0x3;
	v52 =	vmov s0;
	s0 =	simm.s32 $0xA;
	[tilespmem:v58+s20+$0x0] =	vst.idx.msk $0xffff, v57  }
0xc4: {  	v51 =	vadd.s32 v8, v47;
	v49 =	vld [tilespmem:s29+$0xFFFFFE80];
	[tilespmem:v38+s20+$0x0] =	vst.idx.msk $0xffff, v54;
	v54 =	vmov s0;
	s0 =	simm.s32 $0xC;
	v38 =	vmov s30;
	s30 =	simm.s32 $0xE  }
0xc5: {  	s31 =	simm.s32 $0xF;
	s25 =	sadd.s32 $0x1, s26;
	v47 =	vshll.u32 v39, v1;
	v50 =	vld [tilespmem:s29+$0xFFFFFEC0];
	[tilespmem:v60+s20+$0x0] =	vst.idx.msk $0xffff, v59;
	v46 =	vmov s0;
	v39 =	vmov s30;
	s30 =	simm.s32 $0x10  }
.LBB2_11:
0xc6: {  	p0 =	slt.u32 s30, $0x78;
	v52 =	vshrl.u32 v52, $0x3;
	v55 =	vmov s31;
	v56 =	vld [tilespmem:s29+$0xFFFFFF00];
	v35 =	vadd.s32 v16, v35;
	[tilespmem:v41+s20+$0x0] =	vst.idx.msk $0xffff, v40  }
0xc7: {  	v40 =	vshrl.u32 v54, $0x3;
	v34 =	vadd.s32 v20, v34;
	v41 =	vshrl.u32 v55, $0x3;
	v54 =	vld [tilespmem:s29+$0xFFFFFF40];
	[tilespmem:v43+s20+$0x0] =	vst.idx.msk $0xffff, v42  }
0xc8: {  	v37 =	vadd.s32 v24, v37;
	v42 =	vshrl.u32 v44, $0x3;
	v41 =	vshll.u32 v41, v1;
	[tilespmem:v48+s20+$0x0] =	vst.idx.msk $0xffff, v45;
	v43 =	vld [tilespmem:s29+$0xFFFFFF80]  }
0xc9: {  	v36 =	vadd.s32 v28, v36;
	v44 =	vshrl.u32 v46, $0x3;
	v41 =	vbroadcast v41, $0x0;
	[tilespmem:v51+s20+$0x0] =	vst.idx.msk $0xffff, v49;
	v45 =	vld [tilespmem:s29+$0xFFFFFFC0]  }
0xca: {  	v46 =	vshll.u32 v52, v1;
	v49 =	vadd.s32 v4, v33;
	v33 =	vbroadcast v47, $0x0;
	v48 =	vld [tilespmem:s29+$0xFFFFFE40];
	[tilespmem:v53+s20+$0x0] =	vst.idx.msk $0xffff, v50;
	s29 =	sadd.s32 $0x200, s29  }
0xcb: {  	v40 =	vshll.u32 v40, v1;
	v47 =	vbroadcast v46, $0x0;
	v46 =	vld [tilespmem:s29+$0xFFFFFFD0];
	v50 =	vadd.s32 v29, v41;
	[tilespmem:v35+s20+$0x0] =	vst.idx.msk $0xffff, v56  }
0xcc: {  	v53 =	vbroadcast v40, $0x0;
	v52 =	vadd.s32 v0, v33;
	v35 =	vshll.u32 v42, v1;
	v51 =	vld [tilespmem:s29+$0xFFFFFE10];
	[tilespmem:v34+s20+$0x0] =	vst.idx.msk $0xffff, v54  }
0xcd: {  	v42 =	vadd.s32 v5, v47;
	v35 =	vbroadcast v35, $0x0;
	v34 =	vshll.u32 v44, v1;
	v40 =	vld [tilespmem:s29+$0xFFFFFE50];
	[tilespmem:v37+s20+$0x0] =	vst.idx.msk $0xffff, v43  }
0xce: {  	v44 =	vadd.s32 v9, v53;
	v34 =	vbroadcast v34, $0x0;
	v37 =	vshrl.u32 v38, $0x3;
	v43 =	vld [tilespmem:s29+$0xFFFFFE90];
	[tilespmem:v36+s20+$0x0] =	vst.idx.msk $0xffff, v45  }
0xcf: {  	v39 =	vshrl.u32 v39, $0x3;
	v45 =	vadd.s32 v13, v35;
	v36 =	vshll.u32 v37, v1;
	v38 =	vld [tilespmem:s29+$0xFFFFFED0];
	[tilespmem:v49+s20+$0x0] =	vst.idx.msk $0xffff, v48  }
0xd0: {  	v49 =	vadd.s32 v17, v34;
	v37 =	vbroadcast v36, $0x0;
	v36 =	vshll.u32 v39, v1;
	v48 =	vld [tilespmem:s29+$0xFFFFFF10];
	[tilespmem:v50+s20+$0x0] =	vst.idx.msk $0xffff, v46  }
0xd1: {  	v36 =	vbroadcast v36, $0x0;
	v46 =	vadd.s32 v30, v41;
	[tilespmem:v52+s20+$0x0] =	vst.idx.msk $0xffff, v51;
	v39 =	vld [tilespmem:s29+$0xFFFFFFE0]  }
0xd2: {  	[tilespmem:v42+s20+$0x0] =	vst.idx.msk $0xffff, v40;
	v40 =	vld [tilespmem:s29+$0xFFFFFF50];
	v42 =	vadd.s32 v21, v37  }
0xd3: {  	[tilespmem:v44+s20+$0x0] =	vst.idx.msk $0xffff, v43;
	v43 =	vld [tilespmem:s29+$0xFFFFFF90];
	v44 =	vadd.s32 v25, v36  }
0xd4: {  	v51 =	vadd.s32 v6, v47;
	v50 =	vld [tilespmem:s29+$0xFFFFFE60];
	[tilespmem:v45+s20+$0x0] =	vst.idx.msk $0xffff, v38  }
0xd5: {  	v45 =	vadd.s32 v10, v53;
	v38 =	vld [tilespmem:s29+$0xFFFFFEA0];
	[tilespmem:v49+s20+$0x0] =	vst.idx.msk $0xffff, v48  }
0xd6: {  	v49 =	vadd.s32 v14, v35;
	v48 =	vld [tilespmem:s29+$0xFFFFFEE0];
	[tilespmem:v46+s20+$0x0] =	vst.idx.msk $0xffff, v39  }
0xd7: {  	[tilespmem:v42+s20+$0x0] =	vst.idx.msk $0xffff, v40;
	v39 =	vld [tilespmem:s29+$0xFFFFFFF0];
	v40 =	vadd.s32 v31, v41  }
0xd8: {  	v46 =	vadd.s32 v18, v34;
	v42 =	vld [tilespmem:s29+$0xFFFFFF20];
	[tilespmem:v44+s20+$0x0] =	vst.idx.msk $0xffff, v43  }
0xd9: {  	v44 =	vadd.s32 v22, v37;
	[tilespmem:v51+s20+$0x0] =	vst.idx.msk $0xffff, v50;
	v43 =	vld [tilespmem:s29+$0xFFFFFF60]  }
0xda: {  	[tilespmem:v45+s20+$0x0] =	vst.idx.msk $0xffff, v38;
	v38 =	vld [tilespmem:s29+$0xFFFFFFA0];
	v45 =	vadd.s32 v26, v36  }
0xdb: {  	v51 =	vadd.s32 v2, v33;
	v50 =	vld [tilespmem:s29+$0xFFFFFE20];
	[tilespmem:v49+s20+$0x0] =	vst.idx.msk $0xffff, v48  }
0xdc: {  	v49 =	vadd.s32 v7, v47;
	v48 =	vld [tilespmem:s29+$0xFFFFFE70];
	[tilespmem:v40+s20+$0x0] =	vst.idx.msk $0xffff, v39  }
0xdd: {  	[tilespmem:v46+s20+$0x0] =	vst.idx.msk $0xffff, v42;
	v39 =	vld [tilespmem:s29+$0x0];
	v46 =	vadd.s32 v32, v41  }
0xde: {  	v56 =	vadd.s32 v11, v53;
	v55 =	vld [tilespmem:s29+$0xFFFFFEB0];
	[tilespmem:v44+s20+$0x0] =	vst.idx.msk $0xffff, v43  }
0xdf: {  	v58 =	vadd.s32 v15, v35;
	v57 =	vld [tilespmem:s29+$0xFFFFFEF0];
	[tilespmem:v45+s20+$0x0] =	vst.idx.msk $0xffff, v38  }
0xe0: {  	v60 =	vadd.s32 v19, v34;
	[tilespmem:v51+s20+$0x0] =	vst.idx.msk $0xffff, v50;
	v59 =	vld [tilespmem:s29+$0xFFFFFF30]  }
.Ltmp5:
0xe1: {  	s31 =	sadd.s32 $0x1, s30;
	v41 =	vadd.s32 v23, v37;
	v38 =	vmov s30;
	[tilespmem:v49+s20+$0x0] =	vst.idx.msk $0xffff, v48;
	v40 =	vld [tilespmem:s29+$0xFFFFFF70];
	(pc) =	sbr.rel @p0 .LBB2_11-.Ltmp5, $4  }
0xe2: {  	s0 =	sadd.s32 $0x3, s30;
	v52 =	vmov s31;
	s31 =	sadd.s32 $0x2, s30;
	v43 =	vadd.s32 v27, v36;
	v50 =	vshrl.u32 v38, $0x3;
	v42 =	vld [tilespmem:s29+$0xFFFFFFB0];
	[tilespmem:v46+s20+$0x0] =	vst.idx.msk $0xffff, v39  }
0xe3: {  	v54 =	vmov s31;
	s31 =	sadd.s32 $0x5, s30;
	v44 =	vmov s0;
	s0 =	sadd.s32 $0x4, s30;
	v48 =	vadd.s32 v3, v33;
	v45 =	vld [tilespmem:s29+$0xFFFFFE30];
	[tilespmem:v56+s20+$0x0] =	vst.idx.msk $0xffff, v55  }
0xe4: {  	v38 =	vmov s31;
	v51 =	vadd.s32 v8, v47;
	v46 =	vmov s0;
	s0 =	sadd.s32 $0x6, s30;
	v49 =	vld [tilespmem:s29+$0xFFFFFE80];
	[tilespmem:v58+s20+$0x0] =	vst.idx.msk $0xffff, v57  }
0xe5: {  	v53 =	vadd.s32 v12, v53;
	s31 =	sadd.s32 $0x7, s30;
	v47 =	vshll.u32 v50, v1;
	s30 =	sadd.s32 $0x8, s30;
	v39 =	vmov s0;
	v50 =	vld [tilespmem:s29+$0xFFFFFEC0];
	[tilespmem:v60+s20+$0x0] =	vst.idx.msk $0xffff, v59  }
0xe6: {  	_ =	sdelay $0x2  }
0xe7: {  	v52 =	vshrl.u32 v52, $0x3  }
0xe8: {  	v55 =	vmov s31;
	v56 =	vld [tilespmem:s29+$0xFFFFFF00];
	v35 =	vadd.s32 v16, v35;
	[tilespmem:v41+s20+$0x0] =	vst.idx.msk $0xffff, v40;
	v57 =	vshrl.u32 v54, $0x3  }
0xe9: {  	v59 =	vld [tilespmem:s29+$0xFFFFFF40];
	v34 =	vadd.s32 v20, v34;
	v60 =	vshrl.u32 v44, $0x3;
	v58 =	vshrl.u32 v55, $0x3;
	[tilespmem:v43+s20+$0x0] =	vst.idx.msk $0xffff, v42  }
0xea: {  	v37 =	vadd.s32 v24, v37;
	v62 =	vshrl.u32 v46, $0x3;
	v61 =	vld [tilespmem:s29+$0xFFFFFF80];
	v41 =	vshll.u32 v58, v1;
	[tilespmem:v48+s20+$0x0] =	vst.idx.msk $0xffff, v45  }
0xeb: {  	v36 =	vadd.s32 v28, v36;
	v46 =	vbroadcast v47, $0x0;
	v63 =	vld [tilespmem:s29+$0xFFFFFFC0];
	v41 =	vbroadcast v41, $0x0;
	[tilespmem:v51+s20+$0x0] =	vst.idx.msk $0xffff, v49  }
0xec: {  	v33 =	vadd.s32 v4, v33;
	v38 =	vshrl.u32 v38, $0x3;
	v55 =	vshll.u32 v52, v1;
	v48 =	vld [tilespmem:s29+$0xFFFFFE40];
	s29 =	sadd.s32 $0x200, s29;
	[tilespmem:v53+s20+$0x0] =	vst.idx.msk $0xffff, v50  }
0xed: {  	v40 =	vshll.u32 v57, v1;
	v47 =	vbroadcast v55, $0x0;
	v49 =	vld [tilespmem:s29+$0xFFFFFFD0];
	v50 =	vadd.s32 v29, v41;
	[tilespmem:v35+s20+$0x0] =	vst.idx.msk $0xffff, v56  }
0xee: {  	v42 =	vshll.u32 v60, v1;
	v40 =	vbroadcast v40, $0x0;
	v35 =	vld [tilespmem:s29+$0xFFFFFE10];
	v56 =	vadd.s32 v0, v46;
	[tilespmem:v34+s20+$0x0] =	vst.idx.msk $0xffff, v59  }
0xef: {  	v44 =	vshll.u32 v62, v1;
	v42 =	vbroadcast v42, $0x0;
	v57 =	vld [tilespmem:s29+$0xFFFFFE50];
	v58 =	vadd.s32 v5, v47;
	[tilespmem:v37+s20+$0x0] =	vst.idx.msk $0xffff, v61  }
0xf0: {  	v38 =	vshll.u32 v38, v1;
	v44 =	vbroadcast v44, $0x0;
	v60 =	vadd.s32 v9, v40;
	v59 =	vld [tilespmem:s29+$0xFFFFFE90];
	[tilespmem:v36+s20+$0x0] =	vst.idx.msk $0xffff, v63  }
0xf1: {  	v38 =	vbroadcast v38, $0x0;
	v62 =	vadd.s32 v13, v42;
	v61 =	vld [tilespmem:s29+$0xFFFFFED0];
	[tilespmem:v33+s20+$0x0] =	vst.idx.msk $0xffff, v48  }
0xf2: {  	v39 =	vshrl.u32 v39, $0x3;
	v63 =	vadd.s32 v17, v44;
	v33 =	vld [tilespmem:s29+$0xFFFFFF10];
	[tilespmem:v50+s20+$0x0] =	vst.idx.msk $0xffff, v49  }
0xf3: {  	v39 =	vshll.u32 v39, v1;
	v34 =	vld [tilespmem:s29+$0xFFFFFF50];
	[tilespmem:v56+s20+$0x0] =	vst.idx.msk $0xffff, v35;
	v56 =	vadd.s32 v21, v38  }
0xf4: {  	[tilespmem:v58+s20+$0x0] =	vst.idx.msk $0xffff, v57;
	v35 =	vbroadcast v39, $0x0;
	v49 =	vadd.s32 v30, v41;
	v39 =	vld [tilespmem:s29+$0xFFFFFFE0]  }
0xf5: {  	[tilespmem:v60+s20+$0x0] =	vst.idx.msk $0xffff, v59;
	v59 =	vld [tilespmem:s29+$0xFFFFFE60];
	v60 =	vadd.s32 v6, v47  }
0xf6: {  	v57 =	vld [tilespmem:s29+$0xFFFFFF90];
	[tilespmem:v62+s20+$0x0] =	vst.idx.msk $0xffff, v61;
	v58 =	vadd.s32 v25, v35  }
0xf7: {  	v61 =	vld [tilespmem:s29+$0xFFFFFEA0];
	v62 =	vadd.s32 v10, v40;
	[tilespmem:v63+s20+$0x0] =	vst.idx.msk $0xffff, v33  }
0xf8: {  	v33 =	vld [tilespmem:s29+$0xFFFFFEE0];
	v63 =	vadd.s32 v14, v42;
	[tilespmem:v56+s20+$0x0] =	vst.idx.msk $0xffff, v34  }
0xf9: {  	v56 =	vadd.s32 v18, v44;
	[tilespmem:v49+s20+$0x0] =	vst.idx.msk $0xffff, v39;
	v49 =	vld [tilespmem:s29+$0xFFFFFF20]  }
0xfa: {  	[tilespmem:v60+s20+$0x0] =	vst.idx.msk $0xffff, v59;
	v39 =	vadd.s32 v31, v41;
	v34 =	vld [tilespmem:s29+$0xFFFFFFF0]  }
0xfb: {  	[tilespmem:v58+s20+$0x0] =	vst.idx.msk $0xffff, v57;
	v57 =	vld [tilespmem:s29+$0xFFFFFF60];
	v58 =	vadd.s32 v22, v38  }
0xfc: {  	[tilespmem:v62+s20+$0x0] =	vst.idx.msk $0xffff, v61;
	v61 =	vld [tilespmem:s29+$0xFFFFFE20];
	v62 =	vadd.s32 v2, v46  }
0xfd: {  	v60 =	vadd.s32 v26, v35;
	v59 =	vld [tilespmem:s29+$0xFFFFFFA0];
	[tilespmem:v63+s20+$0x0] =	vst.idx.msk $0xffff, v33  }
0xfe: {  	v55 =	vadd.s32 v11, v40;
	v54 =	vadd.s32 v32, v41;
	v41 =	vld [tilespmem:s29+$0xFFFFFEB0];
	[tilespmem:v56+s20+$0x0] =	vst.idx.msk $0xffff, v49  }
0xff: {  	v53 =	vadd.s32 v7, v47;
	v63 =	vld [tilespmem:s29+$0xFFFFFE70];
	[tilespmem:v39+s20+$0x0] =	vst.idx.msk $0xffff, v34  }
0x100: {  	v56 =	vld [tilespmem:s29+$0xFFFFFEF0];
	[tilespmem:v58+s20+$0x0] =	vst.idx.msk $0xffff, v57;
	v57 =	vadd.s32 v15, v42  }
0x101: {  	[tilespmem:v62+s20+$0x0] =	vst.idx.msk $0xffff, v61;
	v34 =	vld [tilespmem:s29+$0x0]  }
0x102: {  	v58 =	vld [tilespmem:s29+$0xFFFFFF30];
	[tilespmem:v60+s20+$0x0] =	vst.idx.msk $0xffff, v59;
	v59 =	vadd.s32 v19, v44  }
0x103: {  	v61 =	vadd.s32 v23, v38;
	[tilespmem:v55+s20+$0x0] =	vst.idx.msk $0xffff, v41;
	v60 =	vld [tilespmem:s29+$0xFFFFFF70]  }
0x104: {  	[tilespmem:v53+s20+$0x0] =	vst.idx.msk $0xffff, v63;
	v63 =	vadd.s32 v27, v35;
	v62 =	vld [tilespmem:s29+$0xFFFFFFB0]  }
0x105: {  	v47 =	vadd.s32 v8, v47;
	v55 =	vld [tilespmem:s29+$0xFFFFFE80];
	[tilespmem:v57+s20+$0x0] =	vst.idx.msk $0xffff, v56  }
0x106: {  	v53 =	vld [tilespmem:s29+$0xFFFFFE30];
	[tilespmem:v54+s20+$0x0] =	vst.idx.msk $0xffff, v34;
	v54 =	vadd.s32 v3, v46  }
0x107: {  	v40 =	vadd.s32 v12, v40;
	v56 =	vld [tilespmem:s29+$0xFFFFFEC0];
	[tilespmem:v59+s20+$0x0] =	vst.idx.msk $0xffff, v58  }
0x108: {  	v42 =	vadd.s32 v16, v42;
	v57 =	vld [tilespmem:s29+$0xFFFFFF00];
	[tilespmem:v61+s20+$0x0] =	vst.idx.msk $0xffff, v60  }
0x109: {  	v59 =	vadd.s32 v20, v44;
	v58 =	vld [tilespmem:s29+$0xFFFFFF40];
	[tilespmem:v63+s20+$0x0] =	vst.idx.msk $0xffff, v62  }
0x10a: {  	v38 =	vadd.s32 v24, v38;
	v60 =	vld [tilespmem:s29+$0xFFFFFF80];
	[tilespmem:v47+s20+$0x0] =	vst.idx.msk $0xffff, v55  }
0x10b: {  	v35 =	vadd.s32 v28, v35;
	v61 =	vld [tilespmem:s29+$0xFFFFFFC0];
	[tilespmem:v54+s20+$0x0] =	vst.idx.msk $0xffff, v53  }
0x10c: {  	v63 =	vadd.s32 v4, v46;
	[tilespmem:v40+s20+$0x0] =	vst.idx.msk $0xffff, v56;
	v62 =	vld [tilespmem:s29+$0xFFFFFE40]  }
0x10d: {  	[tilespmem:v42+s20+$0x0] =	vst.idx.msk $0xffff, v57  }
0x10e: {  	[tilespmem:v59+s20+$0x0] =	vst.idx.msk $0xffff, v58  }
0x10f: {  	[tilespmem:v38+s20+$0x0] =	vst.idx.msk $0xffff, v60  }
0x110: {  	s28 =	sadd.s32 s28, s4;
	[tilespmem:v35+s20+$0x0] =	vst.idx.msk $0xffff, v61  }
0x111: {  	s0 =	simm.s32 $0x10600;
	s30 =	simm.s32 $0x220;
	s29 =	sadd.s32 $0x10, s28;
	[tilespmem:v63+s20+$0x0] =	vst.idx.msk $0xffff, v62  }
0x112: {  	[hbm4b:s29+s2] =	stream.linear.scatter [tilespmem:s0], [sflag:$0x6], $0x80, $0x38;
	[tilespmem:$0x12800] =	vst v63  }
.LBB2_13:
0x113: {  	p0 =	sne.s32 s30, $0x85E0  }
.Ltmp6:
0x114: {  	_ = 	snop;
	(pc) =	sbr.rel @p0 .LBB2_13-.Ltmp6, $4  }
0x115: {  	_ = 	snop  }
0x116: {  	s0 =	sshra.s32 s30, $0x2;
	s30 =	sadd.s32 $0x220, s30  }
0x117: {  	s29 =	sadd.s32 $0x800, s29;
	s0 =	sadd.s32 $0x10600, s0  }
0x118: {  	[hbm4b:s29+s2] =	stream.linear.scatter [tilespmem:s0], [sflag:$0x6], $0x80, $0x38;
	[tilespmem:$0x12800] =	vst v63  }
0x119: {  	p0 =	seq.s32 s26, $0x31  }
0x11a: {  	s0 =	sshll.u32 @!p0 s26, $0x9  }
0x11b: {  	s26 =	sand.u32 @!p0 $0x3FFFFE00, s0  }
0x11c: {  	s29 =	simm.s32 @!p0 $0x80;
	s30 =	simm.s32 @!p0 $0x8400;
	s0 =	sadd.s32 @!p0 $0x280, s26  }
0x11d: {  	[tilespmem:s30], [sflag:$0x2] =	stream.indirect.gather @!p0 [hbm4b:s3+s29], $0x40, s0, s29, $0xb8;
	[tilespmem:$0x12800] =	vst v63  }
0x11e: {  	s0 =	simm.s32 $0x0;
	s29 =	simm.s32 $0x2  }
0x11f: {  	s30 =	simm.s32 $0x7;
	v33 =	vmov s0;
	s0 =	simm.s32 $0x1;
	v35 =	vmov s29  }
0x120: {  	_ =	swait.ge [sflag:s21], $0x2000;
	s29 =	simm.s32 $0x4;
	v38 =	vmov s30;
	v33 =	vshrl.u32 v33, $0x3;
	v34 =	vmov s0  }
0x121: {  	s0 =	simm.s32 $0x3;
	[sflag:s21] =	ssyncset.done $0x0;
	v37 =	vmov s29;
	v38 =	vshrl.u32 v38, $0x3;
	v35 =	vshrl.u32 v35, $0x3  }
0x122: {  	v36 =	vmov s0;
	[sflag:s21] =	ssyncadd.s32 $0xFFFFE000;
	v33 =	vshll.u32 v33, v1;
	v34 =	vshrl.u32 v34, $0x3  }
0x123: {  	s0 =	simm.s32 $0x5;
	v38 =	vshll.u32 v38, v1;
	v37 =	vshrl.u32 v37, $0x3;
	v52 =	vshll.u32 v35, v1;
	_ =	swait.ge [sflag:s22], $0x2000  }
0x124: {  	v39 =	vmov s0;
	v36 =	vshrl.u32 v36, $0x3;
	v38 =	vbroadcast v38, $0x0;
	[sflag:s22] =	ssyncset.done $0x0  }
0x125: {  	s29 =	simm.s32 $0xA5F0;
	v33 =	vbroadcast v33, $0x0;
	v34 =	vshll.u32 v34, v1;
	v52 =	vbroadcast v52, $0x0;
	[sflag:s22] =	ssyncadd.s32 $0xFFFFE000  }
0x126: {  	s0 =	simm.s32 $0x6;
	v54 =	vshll.u32 v37, v1;
	v45 =	vbroadcast v34, $0x0;
	v42 =	vadd.s32 v29, v38;
	v41 =	vld [tilespmem:s29+$0xFFFFFFD0]  }
0x127: {  	v40 =	vmov s0;
	v53 =	vshll.u32 v36, v1;
	v44 =	vadd.s32 v0, v33;
	v43 =	vld [tilespmem:s29+$0xFFFFFE10]  }
0x128: {  	v34 =	vbroadcast v54, $0x0;
	v55 =	vshrl.u32 v39, $0x3;
	v46 =	vld [tilespmem:s29+$0xFFFFFE50];
	v47 =	vadd.s32 v5, v45  }
0x129: {  	v35 =	vbroadcast v53, $0x0;
	v49 =	vadd.s32 v9, v52;
	v36 =	vshll.u32 v55, v1;
	v48 =	vld [tilespmem:s29+$0xFFFFFE90]  }
0x12a: {  	v40 =	vshrl.u32 v40, $0x3;
	v51 =	vld [tilespmem:s29+$0xFFFFFF10];
	v53 =	vadd.s32 v17, v34;
	v37 =	vbroadcast v36, $0x0  }
0x12b: {  	v39 =	vld [tilespmem:s29+$0xFFFFFED0];
	v56 =	vshll.u32 v40, v1;
	v50 =	vadd.s32 v13, v35;
	[tilespmem:v42+s17+$0x0] =	vst.idx.msk $0xffff, v41  }
0x12c: {  	v59 =	vld [tilespmem:s29+$0xFFFFFF50];
	v36 =	vbroadcast v56, $0x0;
	v60 =	vadd.s32 v21, v37;
	[tilespmem:v44+s17+$0x0] =	vst.idx.msk $0xffff, v43  }
0x12d: {  	v58 =	vadd.s32 v30, v38;
	[tilespmem:v47+s17+$0x0] =	vst.idx.msk $0xffff, v46;
	v57 =	vld [tilespmem:s29+$0xFFFFFFE0]  }
0x12e: {  	v61 =	vld [tilespmem:s29+$0xFFFFFF90];
	v62 =	vadd.s32 v25, v36;
	[tilespmem:v49+s17+$0x0] =	vst.idx.msk $0xffff, v48  }
0x12f: {  	v63 =	vadd.s32 v6, v45;
	[tilespmem:v53+s17+$0x0] =	vst.idx.msk $0xffff, v51;
	v47 =	vld [tilespmem:s29+$0xFFFFFE60]  }
0x130: {  	v55 =	vadd.s32 v10, v52;
	[tilespmem:v50+s17+$0x0] =	vst.idx.msk $0xffff, v39;
	v54 =	vld [tilespmem:s29+$0xFFFFFEA0]  }
0x131: {  	v56 =	vadd.s32 v14, v35;
	v50 =	vld [tilespmem:s29+$0xFFFFFEE0];
	[tilespmem:v60+s17+$0x0] =	vst.idx.msk $0xffff, v59  }
0x132: {  	v46 =	vadd.s32 v22, v37;
	v44 =	vld [tilespmem:s29+$0xFFFFFF60];
	[tilespmem:v58+s17+$0x0] =	vst.idx.msk $0xffff, v57  }
0x133: {  	[tilespmem:v62+s17+$0x0] =	vst.idx.msk $0xffff, v61;
	v57 =	vadd.s32 v31, v38;
	v40 =	vld [tilespmem:s29+$0xFFFFFFF0]  }
0x134: {  	v61 =	vld [tilespmem:s29+$0xFFFFFE20];
	v62 =	vadd.s32 v2, v33;
	[tilespmem:v63+s17+$0x0] =	vst.idx.msk $0xffff, v47  }
0x135: {  	v59 =	vadd.s32 v18, v34;
	v58 =	vld [tilespmem:s29+$0xFFFFFF20];
	[tilespmem:v55+s17+$0x0] =	vst.idx.msk $0xffff, v54  }
0x136: {  	v60 =	vadd.s32 v26, v36;
	v63 =	vld [tilespmem:s29+$0xFFFFFFA0];
	[tilespmem:v56+s17+$0x0] =	vst.idx.msk $0xffff, v50  }
0x137: {  	v51 =	vadd.s32 v7, v45;
	v50 =	vld [tilespmem:s29+$0xFFFFFE70];
	[tilespmem:v46+s17+$0x0] =	vst.idx.msk $0xffff, v44  }
0x138: {  	v55 =	vld [tilespmem:s29+$0xFFFFFEB0];
	v56 =	vadd.s32 v11, v52;
	[tilespmem:v57+s17+$0x0] =	vst.idx.msk $0xffff, v40  }
0x139: {  	v38 =	vadd.s32 v32, v38;
	[tilespmem:v62+s17+$0x0] =	vst.idx.msk $0xffff, v61;
	v54 =	vld [tilespmem:s29+$0x0]  }
0x13a: {  	[tilespmem:v59+s17+$0x0] =	vst.idx.msk $0xffff, v58;
	v58 =	vadd.s32 v15, v35;
	v57 =	vld [tilespmem:s29+$0xFFFFFEF0]  }
0x13b: {  	s0 =	simm.s32 $0x8;
	[tilespmem:v60+s17+$0x0] =	vst.idx.msk $0xffff, v63;
	v60 =	vadd.s32 v19, v34;
	v59 =	vld [tilespmem:s29+$0xFFFFFF30]  }
0x13c: {  	v41 =	vadd.s32 v23, v37;
	v63 =	vmov s0;
	s0 =	simm.s32 $0x9;
	[tilespmem:v51+s17+$0x0] =	vst.idx.msk $0xffff, v50;
	v40 =	vld [tilespmem:s29+$0xFFFFFF70]  }
0x13d: {  	s30 =	simm.s32 $0xB;
	v43 =	vadd.s32 v27, v36;
	v48 =	vadd.s32 v3, v33;
	v53 =	vmov s0;
	s0 =	simm.s32 $0xA;
	v42 =	vld [tilespmem:s29+$0xFFFFFFB0];
	[tilespmem:v56+s17+$0x0] =	vst.idx.msk $0xffff, v55  }
0x13e: {  	v52 =	vadd.s32 v12, v52;
	v44 =	vmov s30;
	v46 =	vld [tilespmem:s29+$0xFFFFFE30];
	[tilespmem:v38+s17+$0x0] =	vst.idx.msk $0xffff, v54;
	v54 =	vmov s0;
	s0 =	simm.s32 $0xC  }
0x13f: {  	s30 =	simm.s32 $0xD;
	v39 =	vshrl.u32 v63, $0x3;
	v51 =	vadd.s32 v8, v45;
	v49 =	vld [tilespmem:s29+$0xFFFFFE80];
	[tilespmem:v58+s17+$0x0] =	vst.idx.msk $0xffff, v57;
	v47 =	vmov s0;
	s0 =	simm.s32 $0xE  }
0x140: {  	s31 =	simm.s32 $0xF;
	v45 =	vshll.u32 v39, v1;
	v50 =	vld [tilespmem:s29+$0xFFFFFEC0];
	[tilespmem:v60+s17+$0x0] =	vst.idx.msk $0xffff, v59;
	v38 =	vmov s30;
	s30 =	simm.s32 $0x10;
	v39 =	vmov s0  }
.LBB2_15:
0x141: {  	p1 =	slt.u32 s30, $0x78;
	v53 =	vshrl.u32 v53, $0x3;
	v55 =	vmov s31;
	v56 =	vld [tilespmem:s29+$0xFFFFFF00];
	v35 =	vadd.s32 v16, v35;
	[tilespmem:v41+s17+$0x0] =	vst.idx.msk $0xffff, v40  }
0x142: {  	v40 =	vshrl.u32 v54, $0x3;
	v34 =	vadd.s32 v20, v34;
	v41 =	vshrl.u32 v55, $0x3;
	v54 =	vld [tilespmem:s29+$0xFFFFFF40];
	[tilespmem:v43+s17+$0x0] =	vst.idx.msk $0xffff, v42  }
0x143: {  	v37 =	vadd.s32 v24, v37;
	v42 =	vshrl.u32 v44, $0x3;
	v41 =	vshll.u32 v41, v1;
	[tilespmem:v48+s17+$0x0] =	vst.idx.msk $0xffff, v46;
	v43 =	vld [tilespmem:s29+$0xFFFFFF80]  }
0x144: {  	v36 =	vadd.s32 v28, v36;
	v44 =	vshrl.u32 v47, $0x3;
	v41 =	vbroadcast v41, $0x0;
	[tilespmem:v51+s17+$0x0] =	vst.idx.msk $0xffff, v49;
	v46 =	vld [tilespmem:s29+$0xFFFFFFC0]  }
0x145: {  	v47 =	vshll.u32 v53, v1;
	v49 =	vadd.s32 v4, v33;
	v33 =	vbroadcast v45, $0x0;
	v48 =	vld [tilespmem:s29+$0xFFFFFE40];
	[tilespmem:v52+s17+$0x0] =	vst.idx.msk $0xffff, v50;
	s29 =	sadd.s32 $0x200, s29  }
0x146: {  	v40 =	vshll.u32 v40, v1;
	v45 =	vbroadcast v47, $0x0;
	v47 =	vld [tilespmem:s29+$0xFFFFFFD0];
	v50 =	vadd.s32 v29, v41;
	[tilespmem:v35+s17+$0x0] =	vst.idx.msk $0xffff, v56  }
0x147: {  	v55 =	vbroadcast v40, $0x0;
	v52 =	vadd.s32 v0, v33;
	v35 =	vshll.u32 v42, v1;
	v51 =	vld [tilespmem:s29+$0xFFFFFE10];
	[tilespmem:v34+s17+$0x0] =	vst.idx.msk $0xffff, v54  }
0x148: {  	v42 =	vadd.s32 v5, v45;
	v35 =	vbroadcast v35, $0x0;
	v34 =	vshll.u32 v44, v1;
	v40 =	vld [tilespmem:s29+$0xFFFFFE50];
	[tilespmem:v37+s17+$0x0] =	vst.idx.msk $0xffff, v43  }
0x149: {  	v44 =	vadd.s32 v9, v55;
	v34 =	vbroadcast v34, $0x0;
	v37 =	vshrl.u32 v38, $0x3;
	v43 =	vld [tilespmem:s29+$0xFFFFFE90];
	[tilespmem:v36+s17+$0x0] =	vst.idx.msk $0xffff, v46  }
0x14a: {  	v39 =	vshrl.u32 v39, $0x3;
	v46 =	vadd.s32 v13, v35;
	v36 =	vshll.u32 v37, v1;
	v38 =	vld [tilespmem:s29+$0xFFFFFED0];
	[tilespmem:v49+s17+$0x0] =	vst.idx.msk $0xffff, v48  }
0x14b: {  	v49 =	vadd.s32 v17, v34;
	v37 =	vbroadcast v36, $0x0;
	v36 =	vshll.u32 v39, v1;
	v48 =	vld [tilespmem:s29+$0xFFFFFF10];
	[tilespmem:v50+s17+$0x0] =	vst.idx.msk $0xffff, v47  }
0x14c: {  	v36 =	vbroadcast v36, $0x0;
	v47 =	vadd.s32 v30, v41;
	[tilespmem:v52+s17+$0x0] =	vst.idx.msk $0xffff, v51;
	v39 =	vld [tilespmem:s29+$0xFFFFFFE0]  }
0x14d: {  	[tilespmem:v42+s17+$0x0] =	vst.idx.msk $0xffff, v40;
	v40 =	vld [tilespmem:s29+$0xFFFFFF50];
	v42 =	vadd.s32 v21, v37  }
0x14e: {  	[tilespmem:v44+s17+$0x0] =	vst.idx.msk $0xffff, v43;
	v43 =	vld [tilespmem:s29+$0xFFFFFF90];
	v44 =	vadd.s32 v25, v36  }
0x14f: {  	v51 =	vadd.s32 v6, v45;
	v50 =	vld [tilespmem:s29+$0xFFFFFE60];
	[tilespmem:v46+s17+$0x0] =	vst.idx.msk $0xffff, v38  }
0x150: {  	v46 =	vadd.s32 v10, v55;
	v38 =	vld [tilespmem:s29+$0xFFFFFEA0];
	[tilespmem:v49+s17+$0x0] =	vst.idx.msk $0xffff, v48  }
0x151: {  	v49 =	vadd.s32 v14, v35;
	v48 =	vld [tilespmem:s29+$0xFFFFFEE0];
	[tilespmem:v47+s17+$0x0] =	vst.idx.msk $0xffff, v39  }
0x152: {  	[tilespmem:v42+s17+$0x0] =	vst.idx.msk $0xffff, v40;
	v39 =	vld [tilespmem:s29+$0xFFFFFFF0];
	v40 =	vadd.s32 v31, v41  }
0x153: {  	v47 =	vadd.s32 v18, v34;
	v42 =	vld [tilespmem:s29+$0xFFFFFF20];
	[tilespmem:v44+s17+$0x0] =	vst.idx.msk $0xffff, v43  }
0x154: {  	v44 =	vadd.s32 v22, v37;
	[tilespmem:v51+s17+$0x0] =	vst.idx.msk $0xffff, v50;
	v43 =	vld [tilespmem:s29+$0xFFFFFF60]  }
0x155: {  	[tilespmem:v46+s17+$0x0] =	vst.idx.msk $0xffff, v38;
	v38 =	vld [tilespmem:s29+$0xFFFFFFA0];
	v46 =	vadd.s32 v26, v36  }
0x156: {  	v51 =	vadd.s32 v2, v33;
	v50 =	vld [tilespmem:s29+$0xFFFFFE20];
	[tilespmem:v49+s17+$0x0] =	vst.idx.msk $0xffff, v48  }
0x157: {  	v49 =	vadd.s32 v7, v45;
	v48 =	vld [tilespmem:s29+$0xFFFFFE70];
	[tilespmem:v40+s17+$0x0] =	vst.idx.msk $0xffff, v39  }
0x158: {  	[tilespmem:v47+s17+$0x0] =	vst.idx.msk $0xffff, v42;
	v39 =	vld [tilespmem:s29+$0x0];
	v47 =	vadd.s32 v32, v41  }
0x159: {  	v56 =	vadd.s32 v11, v55;
	v52 =	vld [tilespmem:s29+$0xFFFFFEB0];
	[tilespmem:v44+s17+$0x0] =	vst.idx.msk $0xffff, v43  }
0x15a: {  	v58 =	vadd.s32 v15, v35;
	v57 =	vld [tilespmem:s29+$0xFFFFFEF0];
	[tilespmem:v46+s17+$0x0] =	vst.idx.msk $0xffff, v38  }
0x15b: {  	v60 =	vadd.s32 v19, v34;
	[tilespmem:v51+s17+$0x0] =	vst.idx.msk $0xffff, v50;
	v59 =	vld [tilespmem:s29+$0xFFFFFF30]  }
.Ltmp7:
0x15c: {  	s0 =	sadd.s32 $0x1, s30;
	v41 =	vadd.s32 v23, v37;
	v38 =	vmov s30;
	[tilespmem:v49+s17+$0x0] =	vst.idx.msk $0xffff, v48;
	v40 =	vld [tilespmem:s29+$0xFFFFFF70];
	(pc) =	sbr.rel @p1 .LBB2_15-.Ltmp7, $4  }
0x15d: {  	s31 =	sadd.s32 $0x3, s30;
	v53 =	vmov s0;
	s0 =	sadd.s32 $0x2, s30;
	v43 =	vadd.s32 v27, v36;
	v50 =	vshrl.u32 v38, $0x3;
	v42 =	vld [tilespmem:s29+$0xFFFFFFB0];
	[tilespmem:v47+s17+$0x0] =	vst.idx.msk $0xffff, v39  }
0x15e: {  	v54 =	vmov s0;
	s0 =	sadd.s32 $0x4, s30;
	v44 =	vmov s31;
	s31 =	sadd.s32 $0x5, s30;
	v48 =	vadd.s32 v3, v33;
	v46 =	vld [tilespmem:s29+$0xFFFFFE30];
	[tilespmem:v56+s17+$0x0] =	vst.idx.msk $0xffff, v52  }
0x15f: {  	v38 =	vmov s31;
	v51 =	vadd.s32 v8, v45;
	v47 =	vmov s0;
	s0 =	sadd.s32 $0x6, s30;
	v49 =	vld [tilespmem:s29+$0xFFFFFE80];
	[tilespmem:v58+s17+$0x0] =	vst.idx.msk $0xffff, v57  }
0x160: {  	s31 =	sadd.s32 $0x7, s30;
	v45 =	vshll.u32 v50, v1;
	s30 =	sadd.s32 $0x8, s30;
	v39 =	vmov s0;
	v52 =	vadd.s32 v12, v55;
	v50 =	vld [tilespmem:s29+$0xFFFFFEC0];
	[tilespmem:v60+s17+$0x0] =	vst.idx.msk $0xffff, v59  }
0x161: {  	_ =	sdelay $0x2  }
0x162: {  	v53 =	vshrl.u32 v53, $0x3  }
0x163: {  	v55 =	vmov s31;
	v56 =	vld [tilespmem:s29+$0xFFFFFF00];
	v35 =	vadd.s32 v16, v35;
	[tilespmem:v41+s17+$0x0] =	vst.idx.msk $0xffff, v40;
	v57 =	vshrl.u32 v54, $0x3  }
0x164: {  	v59 =	vld [tilespmem:s29+$0xFFFFFF40];
	v34 =	vadd.s32 v20, v34;
	v60 =	vshrl.u32 v44, $0x3;
	v58 =	vshrl.u32 v55, $0x3;
	[tilespmem:v43+s17+$0x0] =	vst.idx.msk $0xffff, v42  }
0x165: {  	v37 =	vadd.s32 v24, v37;
	v62 =	vshrl.u32 v47, $0x3;
	v61 =	vld [tilespmem:s29+$0xFFFFFF80];
	v41 =	vshll.u32 v58, v1;
	[tilespmem:v48+s17+$0x0] =	vst.idx.msk $0xffff, v46  }
0x166: {  	v36 =	vadd.s32 v28, v36;
	v45 =	vbroadcast v45, $0x0;
	v63 =	vld [tilespmem:s29+$0xFFFFFFC0];
	v41 =	vbroadcast v41, $0x0;
	[tilespmem:v51+s17+$0x0] =	vst.idx.msk $0xffff, v49  }
0x167: {  	v33 =	vadd.s32 v4, v33;
	v38 =	vshrl.u32 v38, $0x3;
	v55 =	vshll.u32 v53, v1;
	v48 =	vld [tilespmem:s29+$0xFFFFFE40];
	s29 =	sadd.s32 $0x200, s29;
	[tilespmem:v52+s17+$0x0] =	vst.idx.msk $0xffff, v50  }
0x168: {  	v40 =	vshll.u32 v57, v1;
	v47 =	vbroadcast v55, $0x0;
	v49 =	vld [tilespmem:s29+$0xFFFFFFD0];
	v50 =	vadd.s32 v29, v41;
	[tilespmem:v35+s17+$0x0] =	vst.idx.msk $0xffff, v56  }
0x169: {  	v42 =	vshll.u32 v60, v1;
	v40 =	vbroadcast v40, $0x0;
	v35 =	vld [tilespmem:s29+$0xFFFFFE10];
	v56 =	vadd.s32 v0, v45;
	[tilespmem:v34+s17+$0x0] =	vst.idx.msk $0xffff, v59  }
0x16a: {  	v44 =	vshll.u32 v62, v1;
	v42 =	vbroadcast v42, $0x0;
	v57 =	vld [tilespmem:s29+$0xFFFFFE50];
	v58 =	vadd.s32 v5, v47;
	[tilespmem:v37+s17+$0x0] =	vst.idx.msk $0xffff, v61  }
0x16b: {  	v38 =	vshll.u32 v38, v1;
	v44 =	vbroadcast v44, $0x0;
	v60 =	vadd.s32 v9, v40;
	v59 =	vld [tilespmem:s29+$0xFFFFFE90];
	[tilespmem:v36+s17+$0x0] =	vst.idx.msk $0xffff, v63  }
0x16c: {  	v38 =	vbroadcast v38, $0x0;
	v62 =	vadd.s32 v13, v42;
	v61 =	vld [tilespmem:s29+$0xFFFFFED0];
	[tilespmem:v33+s17+$0x0] =	vst.idx.msk $0xffff, v48  }
0x16d: {  	v39 =	vshrl.u32 v39, $0x3;
	v63 =	vadd.s32 v17, v44;
	v33 =	vld [tilespmem:s29+$0xFFFFFF10];
	[tilespmem:v50+s17+$0x0] =	vst.idx.msk $0xffff, v49  }
0x16e: {  	v39 =	vshll.u32 v39, v1;
	v34 =	vld [tilespmem:s29+$0xFFFFFF50];
	[tilespmem:v56+s17+$0x0] =	vst.idx.msk $0xffff, v35;
	v56 =	vadd.s32 v21, v38  }
0x16f: {  	[tilespmem:v58+s17+$0x0] =	vst.idx.msk $0xffff, v57;
	v35 =	vbroadcast v39, $0x0;
	v49 =	vadd.s32 v30, v41;
	v39 =	vld [tilespmem:s29+$0xFFFFFFE0]  }
0x170: {  	[tilespmem:v60+s17+$0x0] =	vst.idx.msk $0xffff, v59;
	v59 =	vld [tilespmem:s29+$0xFFFFFE60];
	v60 =	vadd.s32 v6, v47  }
0x171: {  	v57 =	vld [tilespmem:s29+$0xFFFFFF90];
	[tilespmem:v62+s17+$0x0] =	vst.idx.msk $0xffff, v61;
	v58 =	vadd.s32 v25, v35  }
0x172: {  	v61 =	vld [tilespmem:s29+$0xFFFFFEA0];
	v62 =	vadd.s32 v10, v40;
	[tilespmem:v63+s17+$0x0] =	vst.idx.msk $0xffff, v33  }
0x173: {  	v33 =	vld [tilespmem:s29+$0xFFFFFEE0];
	v63 =	vadd.s32 v14, v42;
	[tilespmem:v56+s17+$0x0] =	vst.idx.msk $0xffff, v34  }
0x174: {  	v56 =	vadd.s32 v18, v44;
	[tilespmem:v49+s17+$0x0] =	vst.idx.msk $0xffff, v39;
	v49 =	vld [tilespmem:s29+$0xFFFFFF20]  }
0x175: {  	[tilespmem:v60+s17+$0x0] =	vst.idx.msk $0xffff, v59;
	v39 =	vadd.s32 v31, v41;
	v34 =	vld [tilespmem:s29+$0xFFFFFFF0]  }
0x176: {  	[tilespmem:v58+s17+$0x0] =	vst.idx.msk $0xffff, v57;
	v57 =	vld [tilespmem:s29+$0xFFFFFF60];
	v58 =	vadd.s32 v22, v38  }
0x177: {  	[tilespmem:v62+s17+$0x0] =	vst.idx.msk $0xffff, v61;
	v61 =	vld [tilespmem:s29+$0xFFFFFE20];
	v62 =	vadd.s32 v2, v45  }
0x178: {  	v60 =	vadd.s32 v26, v35;
	v59 =	vld [tilespmem:s29+$0xFFFFFFA0];
	[tilespmem:v63+s17+$0x0] =	vst.idx.msk $0xffff, v33  }
0x179: {  	v55 =	vadd.s32 v11, v40;
	v54 =	vadd.s32 v32, v41;
	v41 =	vld [tilespmem:s29+$0xFFFFFEB0];
	[tilespmem:v56+s17+$0x0] =	vst.idx.msk $0xffff, v49  }
0x17a: {  	v53 =	vadd.s32 v7, v47;
	v63 =	vld [tilespmem:s29+$0xFFFFFE70];
	[tilespmem:v39+s17+$0x0] =	vst.idx.msk $0xffff, v34  }
0x17b: {  	v56 =	vld [tilespmem:s29+$0xFFFFFEF0];
	[tilespmem:v58+s17+$0x0] =	vst.idx.msk $0xffff, v57;
	v57 =	vadd.s32 v15, v42  }
0x17c: {  	[tilespmem:v62+s17+$0x0] =	vst.idx.msk $0xffff, v61;
	v34 =	vld [tilespmem:s29+$0x0]  }
0x17d: {  	v58 =	vld [tilespmem:s29+$0xFFFFFF30];
	[tilespmem:v60+s17+$0x0] =	vst.idx.msk $0xffff, v59;
	v59 =	vadd.s32 v19, v44  }
0x17e: {  	v61 =	vadd.s32 v23, v38;
	[tilespmem:v55+s17+$0x0] =	vst.idx.msk $0xffff, v41;
	v60 =	vld [tilespmem:s29+$0xFFFFFF70]  }
0x17f: {  	[tilespmem:v53+s17+$0x0] =	vst.idx.msk $0xffff, v63;
	v63 =	vadd.s32 v27, v35;
	v62 =	vld [tilespmem:s29+$0xFFFFFFB0]  }
0x180: {  	v47 =	vadd.s32 v8, v47;
	v55 =	vld [tilespmem:s29+$0xFFFFFE80];
	[tilespmem:v57+s17+$0x0] =	vst.idx.msk $0xffff, v56  }
0x181: {  	v53 =	vld [tilespmem:s29+$0xFFFFFE30];
	[tilespmem:v54+s17+$0x0] =	vst.idx.msk $0xffff, v34;
	v54 =	vadd.s32 v3, v45  }
0x182: {  	v40 =	vadd.s32 v12, v40;
	v56 =	vld [tilespmem:s29+$0xFFFFFEC0];
	[tilespmem:v59+s17+$0x0] =	vst.idx.msk $0xffff, v58  }
0x183: {  	v42 =	vadd.s32 v16, v42;
	v57 =	vld [tilespmem:s29+$0xFFFFFF00];
	[tilespmem:v61+s17+$0x0] =	vst.idx.msk $0xffff, v60  }
0x184: {  	v59 =	vadd.s32 v20, v44;
	v58 =	vld [tilespmem:s29+$0xFFFFFF40];
	[tilespmem:v63+s17+$0x0] =	vst.idx.msk $0xffff, v62  }
0x185: {  	v38 =	vadd.s32 v24, v38;
	v60 =	vld [tilespmem:s29+$0xFFFFFF80];
	[tilespmem:v47+s17+$0x0] =	vst.idx.msk $0xffff, v55  }
0x186: {  	v35 =	vadd.s32 v28, v35;
	v61 =	vld [tilespmem:s29+$0xFFFFFFC0];
	[tilespmem:v54+s17+$0x0] =	vst.idx.msk $0xffff, v53  }
0x187: {  	v63 =	vadd.s32 v4, v45;
	[tilespmem:v40+s17+$0x0] =	vst.idx.msk $0xffff, v56;
	v62 =	vld [tilespmem:s29+$0xFFFFFE40]  }
0x188: {  	[tilespmem:v42+s17+$0x0] =	vst.idx.msk $0xffff, v57  }
0x189: {  	[tilespmem:v59+s17+$0x0] =	vst.idx.msk $0xffff, v58  }
0x18a: {  	[tilespmem:v38+s17+$0x0] =	vst.idx.msk $0xffff, v60  }
0x18b: {  	[tilespmem:v35+s17+$0x0] =	vst.idx.msk $0xffff, v61  }
0x18c: {  	s0 =	simm.s32 $0xE400;
	s30 =	simm.s32 $0x220;
	s29 =	sadd.s32 $0x20, s28;
	[tilespmem:v63+s17+$0x0] =	vst.idx.msk $0xffff, v62  }
0x18d: {  	[hbm4b:s29+s2] =	stream.linear.scatter [tilespmem:s0], [sflag:$0x5], $0x80, $0x38;
	[tilespmem:$0x12800] =	vst v63  }
.LBB2_17:
0x18e: {  	p1 =	sne.s32 s30, $0x85E0  }
.Ltmp8:
0x18f: {  	_ = 	snop;
	(pc) =	sbr.rel @p1 .LBB2_17-.Ltmp8, $4  }
0x190: {  	_ = 	snop  }
0x191: {  	s0 =	sshra.s32 s30, $0x2;
	s30 =	sadd.s32 $0x220, s30  }
0x192: {  	s29 =	sadd.s32 $0x800, s29;
	s0 =	sadd.s32 $0xE400, s0  }
0x193: {  	[hbm4b:s29+s2] =	stream.linear.scatter [tilespmem:s0], [sflag:$0x5], $0x80, $0x38;
	[tilespmem:$0x12800] =	vst v63  }
0x194: {  	s0 =	sadd.s32 @!p0 $0x300, s26;
	s29 =	simm.s32 @!p0 $0x80;
	s30 =	simm.s32 @!p0 $0xA400  }
0x195: {  	[tilespmem:s30], [sflag:$0x3] =	stream.indirect.gather @!p0 [hbm4b:s3+s29], $0x40, s0, s29, $0xb8;
	[tilespmem:$0x12800] =	vst v63  }
0x196: {  	s0 =	simm.s32 $0x0;
	s29 =	simm.s32 $0x2  }
0x197: {  	s30 =	simm.s32 $0x7;
	v33 =	vmov s0;
	s0 =	simm.s32 $0x1;
	v35 =	vmov s29  }
0x198: {  	_ =	swait.ge [sflag:s23], $0x2000;
	s29 =	simm.s32 $0x4;
	v38 =	vmov s30;
	v33 =	vshrl.u32 v33, $0x3;
	v34 =	vmov s0  }
0x199: {  	s0 =	simm.s32 $0x3;
	[sflag:s23] =	ssyncset.done $0x0;
	v37 =	vmov s29;
	v38 =	vshrl.u32 v38, $0x3;
	v35 =	vshrl.u32 v35, $0x3  }
0x19a: {  	v36 =	vmov s0;
	[sflag:s23] =	ssyncadd.s32 $0xFFFFE000;
	v33 =	vshll.u32 v33, v1;
	v34 =	vshrl.u32 v34, $0x3  }
0x19b: {  	s0 =	simm.s32 $0x5;
	v38 =	vshll.u32 v38, v1;
	v37 =	vshrl.u32 v37, $0x3;
	v52 =	vshll.u32 v35, v1;
	_ =	swait.ge [sflag:s19], $0x2000  }
0x19c: {  	v39 =	vmov s0;
	v36 =	vshrl.u32 v36, $0x3;
	v38 =	vbroadcast v38, $0x0;
	[sflag:s19] =	ssyncset.done $0x0  }
0x19d: {  	s29 =	simm.s32 $0xC5F0;
	v33 =	vbroadcast v33, $0x0;
	v34 =	vshll.u32 v34, v1;
	v52 =	vbroadcast v52, $0x0;
	[sflag:s19] =	ssyncadd.s32 $0xFFFFE000  }
0x19e: {  	s0 =	simm.s32 $0x6;
	v54 =	vshll.u32 v37, v1;
	v45 =	vbroadcast v34, $0x0;
	v42 =	vadd.s32 v29, v38;
	v41 =	vld [tilespmem:s29+$0xFFFFFFD0]  }
0x19f: {  	v40 =	vmov s0;
	v53 =	vshll.u32 v36, v1;
	v44 =	vadd.s32 v0, v33;
	v43 =	vld [tilespmem:s29+$0xFFFFFE10]  }
0x1a0: {  	v34 =	vbroadcast v54, $0x0;
	v55 =	vshrl.u32 v39, $0x3;
	v46 =	vld [tilespmem:s29+$0xFFFFFE50];
	v47 =	vadd.s32 v5, v45  }
0x1a1: {  	v35 =	vbroadcast v53, $0x0;
	v49 =	vadd.s32 v9, v52;
	v36 =	vshll.u32 v55, v1;
	v48 =	vld [tilespmem:s29+$0xFFFFFE90]  }
0x1a2: {  	v40 =	vshrl.u32 v40, $0x3;
	v51 =	vld [tilespmem:s29+$0xFFFFFF10];
	v53 =	vadd.s32 v17, v34;
	v37 =	vbroadcast v36, $0x0  }
0x1a3: {  	v39 =	vld [tilespmem:s29+$0xFFFFFED0];
	v56 =	vshll.u32 v40, v1;
	v50 =	vadd.s32 v13, v35;
	[tilespmem:v42+s20+$0x0] =	vst.idx.msk $0xffff, v41  }
0x1a4: {  	v59 =	vld [tilespmem:s29+$0xFFFFFF50];
	v36 =	vbroadcast v56, $0x0;
	v60 =	vadd.s32 v21, v37;
	[tilespmem:v44+s20+$0x0] =	vst.idx.msk $0xffff, v43  }
0x1a5: {  	v58 =	vadd.s32 v30, v38;
	[tilespmem:v47+s20+$0x0] =	vst.idx.msk $0xffff, v46;
	v57 =	vld [tilespmem:s29+$0xFFFFFFE0]  }
0x1a6: {  	v61 =	vld [tilespmem:s29+$0xFFFFFF90];
	v62 =	vadd.s32 v25, v36;
	[tilespmem:v49+s20+$0x0] =	vst.idx.msk $0xffff, v48  }
0x1a7: {  	v63 =	vadd.s32 v6, v45;
	[tilespmem:v53+s20+$0x0] =	vst.idx.msk $0xffff, v51;
	v47 =	vld [tilespmem:s29+$0xFFFFFE60]  }
0x1a8: {  	v55 =	vadd.s32 v10, v52;
	[tilespmem:v50+s20+$0x0] =	vst.idx.msk $0xffff, v39;
	v54 =	vld [tilespmem:s29+$0xFFFFFEA0]  }
0x1a9: {  	v56 =	vadd.s32 v14, v35;
	v50 =	vld [tilespmem:s29+$0xFFFFFEE0];
	[tilespmem:v60+s20+$0x0] =	vst.idx.msk $0xffff, v59  }
0x1aa: {  	v46 =	vadd.s32 v22, v37;
	v44 =	vld [tilespmem:s29+$0xFFFFFF60];
	[tilespmem:v58+s20+$0x0] =	vst.idx.msk $0xffff, v57  }
0x1ab: {  	[tilespmem:v62+s20+$0x0] =	vst.idx.msk $0xffff, v61;
	v57 =	vadd.s32 v31, v38;
	v40 =	vld [tilespmem:s29+$0xFFFFFFF0]  }
0x1ac: {  	v61 =	vld [tilespmem:s29+$0xFFFFFE20];
	v62 =	vadd.s32 v2, v33;
	[tilespmem:v63+s20+$0x0] =	vst.idx.msk $0xffff, v47  }
0x1ad: {  	v59 =	vadd.s32 v18, v34;
	v58 =	vld [tilespmem:s29+$0xFFFFFF20];
	[tilespmem:v55+s20+$0x0] =	vst.idx.msk $0xffff, v54  }
0x1ae: {  	v60 =	vadd.s32 v26, v36;
	v63 =	vld [tilespmem:s29+$0xFFFFFFA0];
	[tilespmem:v56+s20+$0x0] =	vst.idx.msk $0xffff, v50  }
0x1af: {  	v51 =	vadd.s32 v7, v45;
	v50 =	vld [tilespmem:s29+$0xFFFFFE70];
	[tilespmem:v46+s20+$0x0] =	vst.idx.msk $0xffff, v44  }
0x1b0: {  	v55 =	vld [tilespmem:s29+$0xFFFFFEB0];
	v56 =	vadd.s32 v11, v52;
	[tilespmem:v57+s20+$0x0] =	vst.idx.msk $0xffff, v40  }
0x1b1: {  	v38 =	vadd.s32 v32, v38;
	[tilespmem:v62+s20+$0x0] =	vst.idx.msk $0xffff, v61;
	v54 =	vld [tilespmem:s29+$0x0]  }
0x1b2: {  	[tilespmem:v59+s20+$0x0] =	vst.idx.msk $0xffff, v58;
	v58 =	vadd.s32 v15, v35;
	v57 =	vld [tilespmem:s29+$0xFFFFFEF0]  }
0x1b3: {  	s0 =	simm.s32 $0x8;
	[tilespmem:v60+s20+$0x0] =	vst.idx.msk $0xffff, v63;
	v60 =	vadd.s32 v19, v34;
	v59 =	vld [tilespmem:s29+$0xFFFFFF30]  }
0x1b4: {  	v41 =	vadd.s32 v23, v37;
	v63 =	vmov s0;
	s0 =	simm.s32 $0x9;
	[tilespmem:v51+s20+$0x0] =	vst.idx.msk $0xffff, v50;
	v40 =	vld [tilespmem:s29+$0xFFFFFF70]  }
0x1b5: {  	s30 =	simm.s32 $0xB;
	v43 =	vadd.s32 v27, v36;
	v48 =	vadd.s32 v3, v33;
	v53 =	vmov s0;
	s0 =	simm.s32 $0xA;
	v42 =	vld [tilespmem:s29+$0xFFFFFFB0];
	[tilespmem:v56+s20+$0x0] =	vst.idx.msk $0xffff, v55  }
0x1b6: {  	v52 =	vadd.s32 v12, v52;
	v44 =	vmov s30;
	v46 =	vld [tilespmem:s29+$0xFFFFFE30];
	[tilespmem:v38+s20+$0x0] =	vst.idx.msk $0xffff, v54;
	v54 =	vmov s0;
	s0 =	simm.s32 $0xC  }
0x1b7: {  	s30 =	simm.s32 $0xD;
	v39 =	vshrl.u32 v63, $0x3;
	v51 =	vadd.s32 v8, v45;
	v49 =	vld [tilespmem:s29+$0xFFFFFE80];
	[tilespmem:v58+s20+$0x0] =	vst.idx.msk $0xffff, v57;
	v47 =	vmov s0;
	s0 =	simm.s32 $0xE  }
0x1b8: {  	s31 =	simm.s32 $0xF;
	v45 =	vshll.u32 v39, v1;
	v50 =	vld [tilespmem:s29+$0xFFFFFEC0];
	[tilespmem:v60+s20+$0x0] =	vst.idx.msk $0xffff, v59;
	v38 =	vmov s30;
	s30 =	simm.s32 $0x10;
	v39 =	vmov s0  }
.LBB2_19:
0x1b9: {  	p1 =	slt.u32 s30, $0x78;
	v53 =	vshrl.u32 v53, $0x3;
	v55 =	vmov s31;
	v56 =	vld [tilespmem:s29+$0xFFFFFF00];
	v35 =	vadd.s32 v16, v35;
	[tilespmem:v41+s20+$0x0] =	vst.idx.msk $0xffff, v40  }
0x1ba: {  	v40 =	vshrl.u32 v54, $0x3;
	v34 =	vadd.s32 v20, v34;
	v41 =	vshrl.u32 v55, $0x3;
	v54 =	vld [tilespmem:s29+$0xFFFFFF40];
	[tilespmem:v43+s20+$0x0] =	vst.idx.msk $0xffff, v42  }
0x1bb: {  	v37 =	vadd.s32 v24, v37;
	v42 =	vshrl.u32 v44, $0x3;
	v41 =	vshll.u32 v41, v1;
	[tilespmem:v48+s20+$0x0] =	vst.idx.msk $0xffff, v46;
	v43 =	vld [tilespmem:s29+$0xFFFFFF80]  }
0x1bc: {  	v36 =	vadd.s32 v28, v36;
	v44 =	vshrl.u32 v47, $0x3;
	v41 =	vbroadcast v41, $0x0;
	[tilespmem:v51+s20+$0x0] =	vst.idx.msk $0xffff, v49;
	v46 =	vld [tilespmem:s29+$0xFFFFFFC0]  }
0x1bd: {  	v47 =	vshll.u32 v53, v1;
	v49 =	vadd.s32 v4, v33;
	v33 =	vbroadcast v45, $0x0;
	v48 =	vld [tilespmem:s29+$0xFFFFFE40];
	[tilespmem:v52+s20+$0x0] =	vst.idx.msk $0xffff, v50;
	s29 =	sadd.s32 $0x200, s29  }
0x1be: {  	v40 =	vshll.u32 v40, v1;
	v45 =	vbroadcast v47, $0x0;
	v47 =	vld [tilespmem:s29+$0xFFFFFFD0];
	v50 =	vadd.s32 v29, v41;
	[tilespmem:v35+s20+$0x0] =	vst.idx.msk $0xffff, v56  }
0x1bf: {  	v55 =	vbroadcast v40, $0x0;
	v52 =	vadd.s32 v0, v33;
	v35 =	vshll.u32 v42, v1;
	v51 =	vld [tilespmem:s29+$0xFFFFFE10];
	[tilespmem:v34+s20+$0x0] =	vst.idx.msk $0xffff, v54  }
0x1c0: {  	v42 =	vadd.s32 v5, v45;
	v35 =	vbroadcast v35, $0x0;
	v34 =	vshll.u32 v44, v1;
	v40 =	vld [tilespmem:s29+$0xFFFFFE50];
	[tilespmem:v37+s20+$0x0] =	vst.idx.msk $0xffff, v43  }
0x1c1: {  	v44 =	vadd.s32 v9, v55;
	v34 =	vbroadcast v34, $0x0;
	v37 =	vshrl.u32 v38, $0x3;
	v43 =	vld [tilespmem:s29+$0xFFFFFE90];
	[tilespmem:v36+s20+$0x0] =	vst.idx.msk $0xffff, v46  }
0x1c2: {  	v39 =	vshrl.u32 v39, $0x3;
	v46 =	vadd.s32 v13, v35;
	v36 =	vshll.u32 v37, v1;
	v38 =	vld [tilespmem:s29+$0xFFFFFED0];
	[tilespmem:v49+s20+$0x0] =	vst.idx.msk $0xffff, v48  }
0x1c3: {  	v49 =	vadd.s32 v17, v34;
	v37 =	vbroadcast v36, $0x0;
	v36 =	vshll.u32 v39, v1;
	v48 =	vld [tilespmem:s29+$0xFFFFFF10];
	[tilespmem:v50+s20+$0x0] =	vst.idx.msk $0xffff, v47  }
0x1c4: {  	v36 =	vbroadcast v36, $0x0;
	v47 =	vadd.s32 v30, v41;
	[tilespmem:v52+s20+$0x0] =	vst.idx.msk $0xffff, v51;
	v39 =	vld [tilespmem:s29+$0xFFFFFFE0]  }
0x1c5: {  	[tilespmem:v42+s20+$0x0] =	vst.idx.msk $0xffff, v40;
	v40 =	vld [tilespmem:s29+$0xFFFFFF50];
	v42 =	vadd.s32 v21, v37  }
0x1c6: {  	[tilespmem:v44+s20+$0x0] =	vst.idx.msk $0xffff, v43;
	v43 =	vld [tilespmem:s29+$0xFFFFFF90];
	v44 =	vadd.s32 v25, v36  }
0x1c7: {  	v51 =	vadd.s32 v6, v45;
	v50 =	vld [tilespmem:s29+$0xFFFFFE60];
	[tilespmem:v46+s20+$0x0] =	vst.idx.msk $0xffff, v38  }
0x1c8: {  	v46 =	vadd.s32 v10, v55;
	v38 =	vld [tilespmem:s29+$0xFFFFFEA0];
	[tilespmem:v49+s20+$0x0] =	vst.idx.msk $0xffff, v48  }
0x1c9: {  	v49 =	vadd.s32 v14, v35;
	v48 =	vld [tilespmem:s29+$0xFFFFFEE0];
	[tilespmem:v47+s20+$0x0] =	vst.idx.msk $0xffff, v39  }
0x1ca: {  	[tilespmem:v42+s20+$0x0] =	vst.idx.msk $0xffff, v40;
	v39 =	vld [tilespmem:s29+$0xFFFFFFF0];
	v40 =	vadd.s32 v31, v41  }
0x1cb: {  	v47 =	vadd.s32 v18, v34;
	v42 =	vld [tilespmem:s29+$0xFFFFFF20];
	[tilespmem:v44+s20+$0x0] =	vst.idx.msk $0xffff, v43  }
0x1cc: {  	v44 =	vadd.s32 v22, v37;
	[tilespmem:v51+s20+$0x0] =	vst.idx.msk $0xffff, v50;
	v43 =	vld [tilespmem:s29+$0xFFFFFF60]  }
0x1cd: {  	[tilespmem:v46+s20+$0x0] =	vst.idx.msk $0xffff, v38;
	v38 =	vld [tilespmem:s29+$0xFFFFFFA0];
	v46 =	vadd.s32 v26, v36  }
0x1ce: {  	v51 =	vadd.s32 v2, v33;
	v50 =	vld [tilespmem:s29+$0xFFFFFE20];
	[tilespmem:v49+s20+$0x0] =	vst.idx.msk $0xffff, v48  }
0x1cf: {  	v49 =	vadd.s32 v7, v45;
	v48 =	vld [tilespmem:s29+$0xFFFFFE70];
	[tilespmem:v40+s20+$0x0] =	vst.idx.msk $0xffff, v39  }
0x1d0: {  	[tilespmem:v47+s20+$0x0] =	vst.idx.msk $0xffff, v42;
	v39 =	vld [tilespmem:s29+$0x0];
	v47 =	vadd.s32 v32, v41  }
0x1d1: {  	v56 =	vadd.s32 v11, v55;
	v52 =	vld [tilespmem:s29+$0xFFFFFEB0];
	[tilespmem:v44+s20+$0x0] =	vst.idx.msk $0xffff, v43  }
0x1d2: {  	v58 =	vadd.s32 v15, v35;
	v57 =	vld [tilespmem:s29+$0xFFFFFEF0];
	[tilespmem:v46+s20+$0x0] =	vst.idx.msk $0xffff, v38  }
0x1d3: {  	v60 =	vadd.s32 v19, v34;
	[tilespmem:v51+s20+$0x0] =	vst.idx.msk $0xffff, v50;
	v59 =	vld [tilespmem:s29+$0xFFFFFF30]  }
.Ltmp9:
0x1d4: {  	s0 =	sadd.s32 $0x1, s30;
	v41 =	vadd.s32 v23, v37;
	v38 =	vmov s30;
	[tilespmem:v49+s20+$0x0] =	vst.idx.msk $0xffff, v48;
	v40 =	vld [tilespmem:s29+$0xFFFFFF70];
	(pc) =	sbr.rel @p1 .LBB2_19-.Ltmp9, $4  }
0x1d5: {  	s31 =	sadd.s32 $0x3, s30;
	v53 =	vmov s0;
	s0 =	sadd.s32 $0x2, s30;
	v43 =	vadd.s32 v27, v36;
	v50 =	vshrl.u32 v38, $0x3;
	v42 =	vld [tilespmem:s29+$0xFFFFFFB0];
	[tilespmem:v47+s20+$0x0] =	vst.idx.msk $0xffff, v39  }
0x1d6: {  	v54 =	vmov s0;
	s0 =	sadd.s32 $0x4, s30;
	v44 =	vmov s31;
	s31 =	sadd.s32 $0x5, s30;
	v48 =	vadd.s32 v3, v33;
	v46 =	vld [tilespmem:s29+$0xFFFFFE30];
	[tilespmem:v56+s20+$0x0] =	vst.idx.msk $0xffff, v52  }
0x1d7: {  	v38 =	vmov s31;
	v51 =	vadd.s32 v8, v45;
	v47 =	vmov s0;
	s0 =	sadd.s32 $0x6, s30;
	v49 =	vld [tilespmem:s29+$0xFFFFFE80];
	[tilespmem:v58+s20+$0x0] =	vst.idx.msk $0xffff, v57  }
0x1d8: {  	s31 =	sadd.s32 $0x7, s30;
	v45 =	vshll.u32 v50, v1;
	s30 =	sadd.s32 $0x8, s30;
	v39 =	vmov s0;
	v52 =	vadd.s32 v12, v55;
	v50 =	vld [tilespmem:s29+$0xFFFFFEC0];
	[tilespmem:v60+s20+$0x0] =	vst.idx.msk $0xffff, v59  }
0x1d9: {  	_ =	sdelay $0x2  }
0x1da: {  	v53 =	vshrl.u32 v53, $0x3  }
0x1db: {  	v55 =	vmov s31;
	v56 =	vld [tilespmem:s29+$0xFFFFFF00];
	v35 =	vadd.s32 v16, v35;
	[tilespmem:v41+s20+$0x0] =	vst.idx.msk $0xffff, v40;
	v57 =	vshrl.u32 v54, $0x3  }
0x1dc: {  	v59 =	vld [tilespmem:s29+$0xFFFFFF40];
	v34 =	vadd.s32 v20, v34;
	v60 =	vshrl.u32 v44, $0x3;
	v58 =	vshrl.u32 v55, $0x3;
	[tilespmem:v43+s20+$0x0] =	vst.idx.msk $0xffff, v42  }
0x1dd: {  	v37 =	vadd.s32 v24, v37;
	v62 =	vshrl.u32 v47, $0x3;
	v61 =	vld [tilespmem:s29+$0xFFFFFF80];
	v41 =	vshll.u32 v58, v1;
	[tilespmem:v48+s20+$0x0] =	vst.idx.msk $0xffff, v46  }
0x1de: {  	v36 =	vadd.s32 v28, v36;
	v45 =	vbroadcast v45, $0x0;
	v63 =	vld [tilespmem:s29+$0xFFFFFFC0];
	v41 =	vbroadcast v41, $0x0;
	[tilespmem:v51+s20+$0x0] =	vst.idx.msk $0xffff, v49  }
0x1df: {  	v33 =	vadd.s32 v4, v33;
	v38 =	vshrl.u32 v38, $0x3;
	v55 =	vshll.u32 v53, v1;
	v48 =	vld [tilespmem:s29+$0xFFFFFE40];
	s29 =	sadd.s32 $0x200, s29;
	[tilespmem:v52+s20+$0x0] =	vst.idx.msk $0xffff, v50  }
0x1e0: {  	v40 =	vshll.u32 v57, v1;
	v47 =	vbroadcast v55, $0x0;
	v49 =	vld [tilespmem:s29+$0xFFFFFFD0];
	v50 =	vadd.s32 v29, v41;
	[tilespmem:v35+s20+$0x0] =	vst.idx.msk $0xffff, v56  }
0x1e1: {  	v42 =	vshll.u32 v60, v1;
	v40 =	vbroadcast v40, $0x0;
	v35 =	vld [tilespmem:s29+$0xFFFFFE10];
	v56 =	vadd.s32 v0, v45;
	[tilespmem:v34+s20+$0x0] =	vst.idx.msk $0xffff, v59  }
0x1e2: {  	v44 =	vshll.u32 v62, v1;
	v42 =	vbroadcast v42, $0x0;
	v57 =	vld [tilespmem:s29+$0xFFFFFE50];
	v58 =	vadd.s32 v5, v47;
	[tilespmem:v37+s20+$0x0] =	vst.idx.msk $0xffff, v61  }
0x1e3: {  	v38 =	vshll.u32 v38, v1;
	v44 =	vbroadcast v44, $0x0;
	v60 =	vadd.s32 v9, v40;
	v59 =	vld [tilespmem:s29+$0xFFFFFE90];
	[tilespmem:v36+s20+$0x0] =	vst.idx.msk $0xffff, v63  }
0x1e4: {  	v38 =	vbroadcast v38, $0x0;
	v62 =	vadd.s32 v13, v42;
	v61 =	vld [tilespmem:s29+$0xFFFFFED0];
	[tilespmem:v33+s20+$0x0] =	vst.idx.msk $0xffff, v48  }
0x1e5: {  	v39 =	vshrl.u32 v39, $0x3;
	v63 =	vadd.s32 v17, v44;
	v33 =	vld [tilespmem:s29+$0xFFFFFF10];
	[tilespmem:v50+s20+$0x0] =	vst.idx.msk $0xffff, v49  }
0x1e6: {  	v39 =	vshll.u32 v39, v1;
	v34 =	vld [tilespmem:s29+$0xFFFFFF50];
	[tilespmem:v56+s20+$0x0] =	vst.idx.msk $0xffff, v35;
	v56 =	vadd.s32 v21, v38  }
0x1e7: {  	[tilespmem:v58+s20+$0x0] =	vst.idx.msk $0xffff, v57;
	v35 =	vbroadcast v39, $0x0;
	v49 =	vadd.s32 v30, v41;
	v39 =	vld [tilespmem:s29+$0xFFFFFFE0]  }
0x1e8: {  	[tilespmem:v60+s20+$0x0] =	vst.idx.msk $0xffff, v59;
	v59 =	vld [tilespmem:s29+$0xFFFFFE60];
	v60 =	vadd.s32 v6, v47  }
0x1e9: {  	v57 =	vld [tilespmem:s29+$0xFFFFFF90];
	[tilespmem:v62+s20+$0x0] =	vst.idx.msk $0xffff, v61;
	v58 =	vadd.s32 v25, v35  }
0x1ea: {  	v61 =	vld [tilespmem:s29+$0xFFFFFEA0];
	v62 =	vadd.s32 v10, v40;
	[tilespmem:v63+s20+$0x0] =	vst.idx.msk $0xffff, v33  }
0x1eb: {  	v33 =	vld [tilespmem:s29+$0xFFFFFEE0];
	v63 =	vadd.s32 v14, v42;
	[tilespmem:v56+s20+$0x0] =	vst.idx.msk $0xffff, v34  }
0x1ec: {  	v56 =	vadd.s32 v18, v44;
	[tilespmem:v49+s20+$0x0] =	vst.idx.msk $0xffff, v39;
	v49 =	vld [tilespmem:s29+$0xFFFFFF20]  }
0x1ed: {  	[tilespmem:v60+s20+$0x0] =	vst.idx.msk $0xffff, v59;
	v39 =	vadd.s32 v31, v41;
	v34 =	vld [tilespmem:s29+$0xFFFFFFF0]  }
0x1ee: {  	[tilespmem:v58+s20+$0x0] =	vst.idx.msk $0xffff, v57;
	v57 =	vld [tilespmem:s29+$0xFFFFFF60];
	v58 =	vadd.s32 v22, v38  }
0x1ef: {  	[tilespmem:v62+s20+$0x0] =	vst.idx.msk $0xffff, v61;
	v61 =	vld [tilespmem:s29+$0xFFFFFE20];
	v62 =	vadd.s32 v2, v45  }
0x1f0: {  	v60 =	vadd.s32 v26, v35;
	v59 =	vld [tilespmem:s29+$0xFFFFFFA0];
	[tilespmem:v63+s20+$0x0] =	vst.idx.msk $0xffff, v33  }
0x1f1: {  	v55 =	vadd.s32 v11, v40;
	v54 =	vadd.s32 v32, v41;
	v41 =	vld [tilespmem:s29+$0xFFFFFEB0];
	[tilespmem:v56+s20+$0x0] =	vst.idx.msk $0xffff, v49  }
0x1f2: {  	v53 =	vadd.s32 v7, v47;
	v63 =	vld [tilespmem:s29+$0xFFFFFE70];
	[tilespmem:v39+s20+$0x0] =	vst.idx.msk $0xffff, v34  }
0x1f3: {  	v56 =	vld [tilespmem:s29+$0xFFFFFEF0];
	[tilespmem:v58+s20+$0x0] =	vst.idx.msk $0xffff, v57;
	v57 =	vadd.s32 v15, v42  }
0x1f4: {  	[tilespmem:v62+s20+$0x0] =	vst.idx.msk $0xffff, v61;
	v34 =	vld [tilespmem:s29+$0x0]  }
0x1f5: {  	v58 =	vld [tilespmem:s29+$0xFFFFFF30];
	[tilespmem:v60+s20+$0x0] =	vst.idx.msk $0xffff, v59;
	v59 =	vadd.s32 v19, v44  }
0x1f6: {  	v61 =	vadd.s32 v23, v38;
	[tilespmem:v55+s20+$0x0] =	vst.idx.msk $0xffff, v41;
	v60 =	vld [tilespmem:s29+$0xFFFFFF70]  }
0x1f7: {  	[tilespmem:v53+s20+$0x0] =	vst.idx.msk $0xffff, v63;
	v63 =	vadd.s32 v27, v35;
	v62 =	vld [tilespmem:s29+$0xFFFFFFB0]  }
0x1f8: {  	v47 =	vadd.s32 v8, v47;
	v55 =	vld [tilespmem:s29+$0xFFFFFE80];
	[tilespmem:v57+s20+$0x0] =	vst.idx.msk $0xffff, v56  }
0x1f9: {  	v53 =	vld [tilespmem:s29+$0xFFFFFE30];
	[tilespmem:v54+s20+$0x0] =	vst.idx.msk $0xffff, v34;
	v54 =	vadd.s32 v3, v45  }
0x1fa: {  	v40 =	vadd.s32 v12, v40;
	v56 =	vld [tilespmem:s29+$0xFFFFFEC0];
	[tilespmem:v59+s20+$0x0] =	vst.idx.msk $0xffff, v58  }
0x1fb: {  	v42 =	vadd.s32 v16, v42;
	v57 =	vld [tilespmem:s29+$0xFFFFFF00];
	[tilespmem:v61+s20+$0x0] =	vst.idx.msk $0xffff, v60  }
0x1fc: {  	v59 =	vadd.s32 v20, v44;
	v58 =	vld [tilespmem:s29+$0xFFFFFF40];
	[tilespmem:v63+s20+$0x0] =	vst.idx.msk $0xffff, v62  }
0x1fd: {  	v38 =	vadd.s32 v24, v38;
	v60 =	vld [tilespmem:s29+$0xFFFFFF80];
	[tilespmem:v47+s20+$0x0] =	vst.idx.msk $0xffff, v55  }
0x1fe: {  	v35 =	vadd.s32 v28, v35;
	v61 =	vld [tilespmem:s29+$0xFFFFFFC0];
	[tilespmem:v54+s20+$0x0] =	vst.idx.msk $0xffff, v53  }
0x1ff: {  	v63 =	vadd.s32 v4, v45;
	[tilespmem:v40+s20+$0x0] =	vst.idx.msk $0xffff, v56;
	v62 =	vld [tilespmem:s29+$0xFFFFFE40]  }
0x200: {  	[tilespmem:v42+s20+$0x0] =	vst.idx.msk $0xffff, v57  }
0x201: {  	[tilespmem:v59+s20+$0x0] =	vst.idx.msk $0xffff, v58  }
0x202: {  	[tilespmem:v38+s20+$0x0] =	vst.idx.msk $0xffff, v60  }
0x203: {  	[tilespmem:v35+s20+$0x0] =	vst.idx.msk $0xffff, v61  }
0x204: {  	s28 =	sadd.s32 $0x30, s28;
	s0 =	simm.s32 $0x10600;
	s29 =	simm.s32 $0x220;
	[tilespmem:v63+s20+$0x0] =	vst.idx.msk $0xffff, v62  }
0x205: {  	[hbm4b:s28+s2] =	stream.linear.scatter [tilespmem:s0], [sflag:$0x6], $0x80, $0x38;
	[tilespmem:$0x12800] =	vst v63  }
.LBB2_21:
0x206: {  	p1 =	sne.s32 s29, $0x85E0  }
.Ltmp10:
0x207: {  	_ = 	snop;
	(pc) =	sbr.rel @p1 .LBB2_21-.Ltmp10, $4  }
0x208: {  	_ = 	snop  }
0x209: {  	s0 =	sshra.s32 s29, $0x2;
	s29 =	sadd.s32 $0x220, s29  }
0x20a: {  	s28 =	sadd.s32 $0x800, s28;
	s0 =	sadd.s32 $0x10600, s0  }
0x20b: {  	[hbm4b:s28+s2] =	stream.linear.scatter [tilespmem:s0], [sflag:$0x6], $0x80, $0x38;
	[tilespmem:$0x12800] =	vst v63  }
0x20c: {  	s0 =	sadd.s32 @!p0 $0x380, s26  }
0x20d: {  	s26 =	simm.s32 @!p0 $0x80;
	s28 =	simm.s32 @!p0 $0xC400;
	p1 =	sne.s32 @!p0 s25, $0x32  }
0x20e: {  	[tilespmem:s28], [sflag:$0x4] =	stream.indirect.gather @!p0 [hbm4b:s3+s26], $0x40, s0, s26, $0xb8;
	[tilespmem:$0x12800] =	vst v63  }
0x20f: {  	p0 =	por p0, !p1  }
.Ltmp11:
0x210: {  	_ = 	snop;
	(pc) =	sbr.rel @!p0 .LBB2_2-.Ltmp11, $2  }
0x211: {  	_ =	sdelay $0x2  }
0x212: {  	s26 =	smov.u32 s25  }
0x213: {  	s24 =	sadd.s32 $0x1, s24  }
0x214: {  	_ =	swait.ge [sflag:s22], $0x2000;
	p0 =	sne.s32 s24, s7  }
.Ltmp12:
0x215: {  	[sflag:s22] =	ssyncset.done $0x0;
	(pc) =	sbr.rel @p0 .LBB2_1-.Ltmp12, $4  }
0x216: {  	[sflag:s22] =	ssyncadd.s32 $0xFFFFE000  }
0x217: {  	_ =	swait.ge [sflag:s19], $0x2000  }
0x218: {  	[sflag:s19] =	ssyncset.done $0x0  }
0x219: {  	[sflag:s19] =	ssyncadd.s32 $0xFFFFE000  }
0x21a: {  	_ =	sfence.sel $0x180000  }
0x21b: {  	[bflag:$0x0] =	sbarrier.arrive $0xFFFF  }
0x21c: {  	_ =	strace $0x90000047  }
0x21d: {  	[bflag:$0x2] =	sbarrier.arrive $0xFFFF  }
0x21e: {  	p0 =	sne.s32 s1, $0x0;
	s0 =	rddreg [dreg:$0x2]  }
0x21f: {  	s0 =	sadd.s32 @!p0 $0x100000, s0  }
0x220: {  	[sflag:s0] =	ssyncadd.tile.s32 @!p0 $0x1;
	_ =	shalt  }
.Lfunc_end2:
_tile_overlayer_lowered:
.L_overlay_start_2:
0x221: {  	(tag) =	ssettag $0x2  }
0x222: {  	s0 =	rddreg [dreg:$0x0];
	s2 =	stileid.u32  }
0x223: {  	s1 =	rddreg [dreg:$0x1];
	p0 =	sne.s32 s2, $0x0  }
0x224: {  	s3 =	rddreg [dreg:$0x2];
	[bflag:$0x3] =	sbarrier.arrive $0xFFFF;
	s2 =	simm.s32 @!p0 $0x1C07  }
0x225: {  	[timem:s3], [sflag:s2] =	dma.local @!p0 [hbm:s0], s1  }
0x226: {  	s0 =	simm.s32 @!p0 $0x7  }
0x227: {  	_ =	swait.ge @!p0 [sflag:s0], s1  }
0x228: {  	s1 =	ssub.s32 @!p0 $0x0, s1;
	[sflag:s0] =	ssyncset.done @!p0 $0x0  }
0x229: {  	[sflag:s0] =	ssyncadd.s32 @!p0 s1  }
0x22a: {  	[bflag:$0x3] =	sbarrier.arrive $0xFFFF  }
0x22b: {  	_ =	shalt  }

</sc_bundles>
